<compile_context>
chip_gen: v7x
topology: tpu7x:2x2x1
jax: 0.10.2.dev20260603
libtpu: 0.0.44.dev20260713+nightly
codegen_flags: <defaults>
</compile_context>

<pallas_src>
import jax
import jax.numpy as jnp
from jax import lax
from jax.experimental import pallas as pl
from jax.experimental.pallas import tpu as pltpu
from jax.experimental.pallas import tpu_sc as plsc

N_FIELDS = 26
VOCAB = 100000
DIM = 32
BATCH = 16384
NPAIR = N_FIELDS * DIM

NC, NS, L = 2, 16, 16
NW = NC * NS
PPW = NPAIR // NW
BULK = 99968
TAIL = VOCAB + 1 - BULK
ROWBUF = BULK + 128
QB = 4096
CHUNKS = [(0, 25088), (25088, 25088), (50176, 25088), (75264, 24704)]


def _body(tables_hbm, tail_hbm, idx_hbm, wsplat_hbm, out_hbm,
          row_v, idx_v, col_v, wsplat_v, rsem, ssem):
    wid = lax.axis_index("s") * NC + lax.axis_index("c")
    p0 = wid * PPW
    pltpu.sync_copy(wsplat_hbm, wsplat_v)
    for s in range(2):
        pltpu.async_copy(col_v.at[s], out_hbm.at[p0, pl.ds(s * QB, QB)], ssem)

    def do_pair(i, carry):
        p = p0 + i
        f = p // DIM
        d = p - f * DIM
        for off, w in CHUNKS:
            pltpu.async_copy(tables_hbm.at[f, d, pl.ds(off, w)],
                             row_v.at[pl.ds(off, w)], rsem)
        pltpu.async_copy(tail_hbm.at[f, d], row_v.at[pl.ds(BULK, 128)], rsem)
        pltpu.async_copy(idx_hbm.at[f], idx_v, rsem)
        for off, w in CHUNKS:
            pltpu.make_async_copy(tables_hbm.at[f, d, pl.ds(off, w)],
                                  row_v.at[pl.ds(off, w)], rsem).wait()
        pltpu.make_async_copy(tail_hbm.at[f, d],
                              row_v.at[pl.ds(BULK, 128)], rsem).wait()
        pltpu.make_async_copy(idx_hbm.at[f], idx_v, rsem).wait()
        wv = wsplat_v[f]

        for k in range(4):
            s = k % 2
            pltpu.make_async_copy(col_v.at[s],
                                  out_hbm.at[p, pl.ds(k * QB, QB)],
                                  ssem).wait()

            @plsc.parallel_loop(0, QB // L, unroll=8)
            def gath(c, k=k, s=s):
                o = c * L
                v = idx_v[pl.ds(k * QB + o, L)]
                g = jnp.where((v >= 0) & (v < VOCAB), v + 1, 0)
                col_v[s, pl.ds(o, L)] = plsc.load_gather(row_v, [g]) * wv
            pltpu.async_copy(col_v.at[s], out_hbm.at[p, pl.ds(k * QB, QB)],
                             ssem)
        return carry

    lax.fori_loop(0, PPW, do_pair, 0)
    for s in range(2):
        pltpu.make_async_copy(col_v.at[s],
                              out_hbm.at[p0, pl.ds(s * QB, QB)], ssem).wait()


def kernel(indices, tables, weights):
    tables_t = jnp.transpose(tables, (0, 2, 1))
    idx_t = indices.T
    wsplat = jnp.broadcast_to(weights[:, None], (N_FIELDS, L))
    tail_pad = jnp.pad(tables_t[:, :, BULK:],
                       ((0, 0), (0, 0), (0, 128 - TAIL)))
    run = pl.kernel(
        _body,
        out_type=jax.ShapeDtypeStruct((NPAIR, BATCH), jnp.float32),
        mesh=plsc.VectorSubcoreMesh(core_axis_name="c", subcore_axis_name="s",
                                    num_cores=NC, num_subcores=NS),
        compiler_params=pltpu.CompilerParams(needs_layout_passes=False,
                                             disable_bounds_checks=True),
        scratch_types=[
            pltpu.VMEM((ROWBUF,), jnp.float32),
            pltpu.VMEM((BATCH,), jnp.int32),
            pltpu.VMEM((2, QB), jnp.float32),
            pltpu.VMEM((N_FIELDS, L), jnp.float32),
            pltpu.SemaphoreType.DMA,
            pltpu.SemaphoreType.DMA,
        ],
    )
    out_t = run(tables_t, tail_pad, idx_t, wsplat)
    return out_t.T

# --- scband reference (transcript-rebuilt; emitter-appended) ---
"""Pipeline reference for scband-features-layers-17746804867771 (READ-ONLY COPY).

The authoritative reference and input builder live on the scoring server;
editing this copy changes nothing except your own understanding.
"""

import jax, jax.numpy as jnp
import numpy as np

N_FIELDS = 26
VOCAB = 100000
DIM = 32
BATCH = 16384


def setup_inputs(seed: int = 0) -> dict:
    key = jax.random.key(seed)
    k1, k2, k3 = jax.random.split(key, 3)
    indices = jax.random.randint(k1, (BATCH, N_FIELDS), 0, VOCAB, dtype=jnp.int32)
    tables = jax.random.normal(k2, (N_FIELDS, VOCAB + 1, DIM), dtype=jnp.float32) * 0.02
    weights = jax.random.uniform(k3, (N_FIELDS,), dtype=jnp.float32, minval=0.5, maxval=1.5)
    return {"indices": indices, "tables": tables, "weights": weights}


def reference(indices, tables, weights):
    # IntegerLookup with identity vocabulary [0, VOCAB) and mask_token=None:
    # in-vocab value v -> index v + 1 (one OOV index at 0), OOV -> 0.
    idx = jnp.where((indices >= 0) & (indices < VOCAB), indices + 1, 0)
    # Per-feature Embedding(len(vocab)+1, DIM) lookup, then Flatten per tower.
    gathered = jax.vmap(lambda t, i: jnp.take(t, i, axis=0), in_axes=(0, 1), out_axes=1)(tables, idx)  # [B, F, D]
    # call(): each tower output scaled by its feature weight, then concat on axis=1.
    weighted = gathered * weights[None, :, None]
    return weighted.reshape(BATCH, N_FIELDS * DIM)

if __name__ == "__main__":
    import jax
    _d = setup_inputs()
    print(jax.jit(kernel)(*tuple(_d.values())))

</pallas_src>

<mosaic_0001>
#map = affine_map<(d0, d1) -> (0, 0, 0)>
#map1 = affine_map<(d0, d1) -> (0, 0)>
module attributes {stable_mosaic.version = 14 : i64} {
  func.func @_body(%arg0: i32, %arg1: i32, %arg2: memref<26x32x100001xf32, #tpu.memory_space<hbm>>, %arg3: memref<26x32x128xf32, #tpu.memory_space<hbm>>, %arg4: memref<26x16384xi32, #tpu.memory_space<hbm>>, %arg5: memref<26x16xf32, #tpu.memory_space<hbm>>, %arg6: memref<832x16384xf32, #tpu.memory_space<hbm>>, %arg7: memref<100096xf32, #tpu.memory_space<vmem>>, %arg8: memref<16384xi32, #tpu.memory_space<vmem>>, %arg9: memref<2x4096xf32, #tpu.memory_space<vmem>>, %arg10: memref<26x16xf32, #tpu.memory_space<vmem>>, %arg11: memref<!tpu.dma_semaphore, #tpu.memory_space<semaphore_mem>>, %arg12: memref<!tpu.dma_semaphore, #tpu.memory_space<semaphore_mem>>) attributes {dimension_semantics = [#tpu.dimension_semantics<core_parallel>, #tpu.dimension_semantics<subcore_parallel>], iteration_bounds = array<i64: 2, 16>, scalar_prefetch = 0 : i64, scratch_operands = 6 : i64, tpu.core_type = #tpu.core_type<sc_vector_subcore>, window_params = [{transform_indices = #map}, {transform_indices = #map}, {transform_indices = #map1}, {transform_indices = #map1}, {transform_indices = #map1}]} {
    %mul3A = arith.constant 2 : i32
    %mul3A_0 = arith.muli %arg1, %mul3A : i32
    %add3A = arith.addi %mul3A_0, %arg0 : i32
    %mul3A_1 = arith.constant 26 : i32
    %mul3A_2 = arith.muli %add3A, %mul3A_1 : i32
    "tpu.region"() ({
      %run_scoped3A = tpu.sem_alloc : memref<!tpu.dma_semaphore, #tpu.memory_space<semaphore_mem>>
      tpu.enqueue_dma source(%arg5 : memref<26x16xf32, #tpu.memory_space<hbm>>) target(%arg10 : memref<26x16xf32, #tpu.memory_space<vmem>>) target_semaphore(%run_scoped3A : memref<!tpu.dma_semaphore, #tpu.memory_space<semaphore_mem>>)
      tpu.wait_dma2 semaphore(%run_scoped3A : memref<!tpu.dma_semaphore, #tpu.memory_space<semaphore_mem>>) src(%arg5 : memref<26x16xf32, #tpu.memory_space<hbm>>) dst(%arg10 : memref<26x16xf32, #tpu.memory_space<vmem>>)
      tpu.yield
    }) : () -> ()
    %dma_start3A = arith.constant 0 : i32
    %dma_start3A_3 = arith.constant 0 : i32
    %dma_start3A_4 = tpu.memref_slice %arg9[%dma_start3A, %dma_start3A_3] : memref<2x4096xf32, #tpu.memory_space<vmem>> -> memref<1x4096xf32, #tpu.memory_space<vmem>>
    %dma_start3A_5 = tpu.memref_squeeze %dma_start3A_4 : memref<1x4096xf32, #tpu.memory_space<vmem>> -> memref<4096xf32, #tpu.memory_space<vmem>>
    %dma_start3A_6 = arith.constant 0 : i32
    %dma_start3A_7 = tpu.memref_slice %arg6[%mul3A_2, %dma_start3A_6] : memref<832x16384xf32, #tpu.memory_space<hbm>> -> memref<1x4096xf32, #tpu.memory_space<hbm>>
    %dma_start3A_8 = tpu.memref_squeeze %dma_start3A_7 : memref<1x4096xf32, #tpu.memory_space<hbm>> -> memref<4096xf32, #tpu.memory_space<hbm>>
    %dma_start3A_9 = arith.constant 0 : i32
    %dma_start3A_10 = tpu.memref_slice %arg6[%mul3A_2, %dma_start3A_9] : memref<832x16384xf32, #tpu.memory_space<hbm>> -> memref<1x4096xf32, #tpu.memory_space<hbm>>
    %dma_start3A_11 = tpu.memref_squeeze %dma_start3A_10 : memref<1x4096xf32, #tpu.memory_space<hbm>> -> memref<4096xf32, #tpu.memory_space<hbm>>
    %dma_start3A_12 = arith.constant 0 : i32
    %dma_start3A_13 = tpu.memref_slice %arg9[%dma_start3A, %dma_start3A_12] : memref<2x4096xf32, #tpu.memory_space<vmem>> -> memref<1x4096xf32, #tpu.memory_space<vmem>>
    %dma_start3A_14 = tpu.memref_squeeze %dma_start3A_13 : memref<1x4096xf32, #tpu.memory_space<vmem>> -> memref<4096xf32, #tpu.memory_space<vmem>>
    tpu.enqueue_dma source(%dma_start3A_14 : memref<4096xf32, #tpu.memory_space<vmem>>) target(%dma_start3A_11 : memref<4096xf32, #tpu.memory_space<hbm>>) target_semaphore(%arg12 : memref<!tpu.dma_semaphore, #tpu.memory_space<semaphore_mem>>)
    %dma_start3A_15 = arith.constant 1 : i32
    %dma_start3A_16 = arith.constant 0 : i32
    %dma_start3A_17 = tpu.memref_slice %arg9[%dma_start3A_15, %dma_start3A_16] : memref<2x4096xf32, #tpu.memory_space<vmem>> -> memref<1x4096xf32, #tpu.memory_space<vmem>>
    %dma_start3A_18 = tpu.memref_squeeze %dma_start3A_17 : memref<1x4096xf32, #tpu.memory_space<vmem>> -> memref<4096xf32, #tpu.memory_space<vmem>>
    %dma_start3A_19 = arith.constant 4096 : i32
    %dma_start3A_20 = tpu.memref_slice %arg6[%mul3A_2, %dma_start3A_19] : memref<832x16384xf32, #tpu.memory_space<hbm>> -> memref<1x4096xf32, #tpu.memory_space<hbm>>
    %dma_start3A_21 = tpu.memref_squeeze %dma_start3A_20 : memref<1x4096xf32, #tpu.memory_space<hbm>> -> memref<4096xf32, #tpu.memory_space<hbm>>
    %dma_start3A_22 = arith.constant 4096 : i32
    %dma_start3A_23 = tpu.memref_slice %arg6[%mul3A_2, %dma_start3A_22] : memref<832x16384xf32, #tpu.memory_space<hbm>> -> memref<1x4096xf32, #tpu.memory_space<hbm>>
    %dma_start3A_24 = tpu.memref_squeeze %dma_start3A_23 : memref<1x4096xf32, #tpu.memory_space<hbm>> -> memref<4096xf32, #tpu.memory_space<hbm>>
    %dma_start3A_25 = arith.constant 0 : i32
    %dma_start3A_26 = tpu.memref_slice %arg9[%dma_start3A_15, %dma_start3A_25] : memref<2x4096xf32, #tpu.memory_space<vmem>> -> memref<1x4096xf32, #tpu.memory_space<vmem>>
    %dma_start3A_27 = tpu.memref_squeeze %dma_start3A_26 : memref<1x4096xf32, #tpu.memory_space<vmem>> -> memref<4096xf32, #tpu.memory_space<vmem>>
    tpu.enqueue_dma source(%dma_start3A_27 : memref<4096xf32, #tpu.memory_space<vmem>>) target(%dma_start3A_24 : memref<4096xf32, #tpu.memory_space<hbm>>) target_semaphore(%arg12 : memref<!tpu.dma_semaphore, #tpu.memory_space<semaphore_mem>>)
    %scan3A = arith.constant 0 : i32
    %scan3A_28 = arith.constant 0 : i32
    %scan3A_29 = arith.constant 26 : i32
    %scan3A_30 = arith.addi %scan3A_28, %scan3A_29 : i32
    %scan3A_31 = arith.constant 1 : i32
    scf.for %scan3A_58 = %scan3A_28 to %scan3A_30 step %scan3A_31  : i32 {
      %add3A_59 = arith.addi %mul3A_2, %scan3A_58 : i32
      %jit3A = arith.constant 32 : i32
      %div3A = arith.divsi %add3A_59, %jit3A : i32
      %sign3A = arith.constant 0 : i32
      %sign3A_60 = arith.cmpi sgt, %add3A_59, %sign3A : i32
      %sign3A_61 = arith.extui %sign3A_60 : i1 to i32
      %sign3A_62 = arith.constant 0 : i32
      %sign3A_63 = arith.cmpi slt, %add3A_59, %sign3A_62 : i32
      %sign3A_64 = arith.extui %sign3A_63 : i1 to i32
      %sign3A_65 = arith.subi %sign3A_61, %sign3A_64 : i32
      %sign3A_66 = arith.constant 0 : i32
      %sign3A_67 = arith.cmpi sgt, %jit3A, %sign3A_66 : i32
      %sign3A_68 = arith.extui %sign3A_67 : i1 to i32
      %sign3A_69 = arith.constant 0 : i32
      %sign3A_70 = arith.cmpi slt, %jit3A, %sign3A_69 : i32
      %sign3A_71 = arith.extui %sign3A_70 : i1 to i32
      %sign3A_72 = arith.subi %sign3A_68, %sign3A_71 : i32
      %ne3A = arith.cmpi ne, %sign3A_65, %sign3A_72 : i32
      %rem3A = arith.remsi %add3A_59, %jit3A : i32
      %ne3A_73 = arith.constant 0 : i32
      %ne3A_74 = arith.cmpi ne, %rem3A, %ne3A_73 : i32
      %and3A = arith.andi %ne3A, %ne3A_74 : i1
      %sub3A = arith.constant 1 : i32
      %sub3A_75 = arith.subi %div3A, %sub3A : i32
      %select_n3A = arith.select %and3A, %sub3A_75, %div3A : i32
      %mul3A_76 = arith.constant 32 : i32
      %mul3A_77 = arith.muli %select_n3A, %mul3A_76 : i32
      %sub3A_78 = arith.subi %add3A_59, %mul3A_77 : i32
      %dma_start3A_79 = arith.constant 0 : i32
      %dma_start3A_80 = tpu.memref_slice %arg7[%dma_start3A_79] : memref<100096xf32, #tpu.memory_space<vmem>> -> memref<25088xf32, #tpu.memory_space<vmem>>
      %dma_start3A_81 = arith.constant 0 : i32
      %dma_start3A_82 = tpu.memref_slice %arg2[%select_n3A, %sub3A_78, %dma_start3A_81] : memref<26x32x100001xf32, #tpu.memory_space<hbm>> -> memref<1x1x25088xf32, #tpu.memory_space<hbm>>
      %dma_start3A_83 = tpu.memref_squeeze %dma_start3A_82 : memref<1x1x25088xf32, #tpu.memory_space<hbm>> -> memref<25088xf32, #tpu.memory_space<hbm>>
      %dma_start3A_84 = arith.constant 0 : i32
      %dma_start3A_85 = tpu.memref_slice %arg7[%dma_start3A_84] : memref<100096xf32, #tpu.memory_space<vmem>> -> memref<25088xf32, #tpu.memory_space<vmem>>
      %dma_start3A_86 = arith.constant 0 : i32
      %dma_start3A_87 = tpu.memref_slice %arg2[%select_n3A, %sub3A_78, %dma_start3A_86] : memref<26x32x100001xf32, #tpu.memory_space<hbm>> -> memref<1x1x25088xf32, #tpu.memory_space<hbm>>
      %dma_start3A_88 = tpu.memref_squeeze %dma_start3A_87 : memref<1x1x25088xf32, #tpu.memory_space<hbm>> -> memref<25088xf32, #tpu.memory_space<hbm>>
      tpu.enqueue_dma source(%dma_start3A_88 : memref<25088xf32, #tpu.memory_space<hbm>>) target(%dma_start3A_85 : memref<25088xf32, #tpu.memory_space<vmem>>) target_semaphore(%arg11 : memref<!tpu.dma_semaphore, #tpu.memory_space<semaphore_mem>>)
      %dma_start3A_89 = arith.constant 25088 : i32
      %dma_start3A_90 = tpu.memref_slice %arg7[%dma_start3A_89] : memref<100096xf32, #tpu.memory_space<vmem>> -> memref<25088xf32, #tpu.memory_space<vmem>>
      %dma_start3A_91 = arith.constant 25088 : i32
      %dma_start3A_92 = tpu.memref_slice %arg2[%select_n3A, %sub3A_78, %dma_start3A_91] : memref<26x32x100001xf32, #tpu.memory_space<hbm>> -> memref<1x1x25088xf32, #tpu.memory_space<hbm>>
      %dma_start3A_93 = tpu.memref_squeeze %dma_start3A_92 : memref<1x1x25088xf32, #tpu.memory_space<hbm>> -> memref<25088xf32, #tpu.memory_space<hbm>>
      %dma_start3A_94 = arith.constant 25088 : i32
      %dma_start3A_95 = tpu.memref_slice %arg7[%dma_start3A_94] : memref<100096xf32, #tpu.memory_space<vmem>> -> memref<25088xf32, #tpu.memory_space<vmem>>
      %dma_start3A_96 = arith.constant 25088 : i32
      %dma_start3A_97 = tpu.memref_slice %arg2[%select_n3A, %sub3A_78, %dma_start3A_96] : memref<26x32x100001xf32, #tpu.memory_space<hbm>> -> memref<1x1x25088xf32, #tpu.memory_space<hbm>>
      %dma_start3A_98 = tpu.memref_squeeze %dma_start3A_97 : memref<1x1x25088xf32, #tpu.memory_space<hbm>> -> memref<25088xf32, #tpu.memory_space<hbm>>
      tpu.enqueue_dma source(%dma_start3A_98 : memref<25088xf32, #tpu.memory_space<hbm>>) target(%dma_start3A_95 : memref<25088xf32, #tpu.memory_space<vmem>>) target_semaphore(%arg11 : memref<!tpu.dma_semaphore, #tpu.memory_space<semaphore_mem>>)
      %dma_start3A_99 = arith.constant 50176 : i32
      %dma_start3A_100 = tpu.memref_slice %arg7[%dma_start3A_99] : memref<100096xf32, #tpu.memory_space<vmem>> -> memref<25088xf32, #tpu.memory_space<vmem>>
      %dma_start3A_101 = arith.constant 50176 : i32
      %dma_start3A_102 = tpu.memref_slice %arg2[%select_n3A, %sub3A_78, %dma_start3A_101] : memref<26x32x100001xf32, #tpu.memory_space<hbm>> -> memref<1x1x25088xf32, #tpu.memory_space<hbm>>
      %dma_start3A_103 = tpu.memref_squeeze %dma_start3A_102 : memref<1x1x25088xf32, #tpu.memory_space<hbm>> -> memref<25088xf32, #tpu.memory_space<hbm>>
      %dma_start3A_104 = arith.constant 50176 : i32
      %dma_start3A_105 = tpu.memref_slice %arg7[%dma_start3A_104] : memref<100096xf32, #tpu.memory_space<vmem>> -> memref<25088xf32, #tpu.memory_space<vmem>>
      %dma_start3A_106 = arith.constant 50176 : i32
      %dma_start3A_107 = tpu.memref_slice %arg2[%select_n3A, %sub3A_78, %dma_start3A_106] : memref<26x32x100001xf32, #tpu.memory_space<hbm>> -> memref<1x1x25088xf32, #tpu.memory_space<hbm>>
      %dma_start3A_108 = tpu.memref_squeeze %dma_start3A_107 : memref<1x1x25088xf32, #tpu.memory_space<hbm>> -> memref<25088xf32, #tpu.memory_space<hbm>>
      tpu.enqueue_dma source(%dma_start3A_108 : memref<25088xf32, #tpu.memory_space<hbm>>) target(%dma_start3A_105 : memref<25088xf32, #tpu.memory_space<vmem>>) target_semaphore(%arg11 : memref<!tpu.dma_semaphore, #tpu.memory_space<semaphore_mem>>)
      %dma_start3A_109 = arith.constant 75264 : i32
      %dma_start3A_110 = tpu.memref_slice %arg7[%dma_start3A_109] : memref<100096xf32, #tpu.memory_space<vmem>> -> memref<24704xf32, #tpu.memory_space<vmem>>
      %dma_start3A_111 = arith.constant 75264 : i32
      %dma_start3A_112 = tpu.memref_slice %arg2[%select_n3A, %sub3A_78, %dma_start3A_111] : memref<26x32x100001xf32, #tpu.memory_space<hbm>> -> memref<1x1x24704xf32, #tpu.memory_space<hbm>>
      %dma_start3A_113 = tpu.memref_squeeze %dma_start3A_112 : memref<1x1x24704xf32, #tpu.memory_space<hbm>> -> memref<24704xf32, #tpu.memory_space<hbm>>
      %dma_start3A_114 = arith.constant 75264 : i32
      %dma_start3A_115 = tpu.memref_slice %arg7[%dma_start3A_114] : memref<100096xf32, #tpu.memory_space<vmem>> -> memref<24704xf32, #tpu.memory_space<vmem>>
      %dma_start3A_116 = arith.constant 75264 : i32
      %dma_start3A_117 = tpu.memref_slice %arg2[%select_n3A, %sub3A_78, %dma_start3A_116] : memref<26x32x100001xf32, #tpu.memory_space<hbm>> -> memref<1x1x24704xf32, #tpu.memory_space<hbm>>
      %dma_start3A_118 = tpu.memref_squeeze %dma_start3A_117 : memref<1x1x24704xf32, #tpu.memory_space<hbm>> -> memref<24704xf32, #tpu.memory_space<hbm>>
      tpu.enqueue_dma source(%dma_start3A_118 : memref<24704xf32, #tpu.memory_space<hbm>>) target(%dma_start3A_115 : memref<24704xf32, #tpu.memory_space<vmem>>) target_semaphore(%arg11 : memref<!tpu.dma_semaphore, #tpu.memory_space<semaphore_mem>>)
      %dma_start3A_119 = arith.constant 99968 : i32
      %dma_start3A_120 = tpu.memref_slice %arg7[%dma_start3A_119] : memref<100096xf32, #tpu.memory_space<vmem>> -> memref<128xf32, #tpu.memory_space<vmem>>
      %dma_start3A_121 = arith.constant 0 : i32
      %dma_start3A_122 = tpu.memref_slice %arg3[%select_n3A, %sub3A_78, %dma_start3A_121] : memref<26x32x128xf32, #tpu.memory_space<hbm>> -> memref<1x1x128xf32, #tpu.memory_space<hbm>>
      %dma_start3A_123 = tpu.memref_squeeze %dma_start3A_122 : memref<1x1x128xf32, #tpu.memory_space<hbm>> -> memref<128xf32, #tpu.memory_space<hbm>>
      %dma_start3A_124 = arith.constant 99968 : i32
      %dma_start3A_125 = tpu.memref_slice %arg7[%dma_start3A_124] : memref<100096xf32, #tpu.memory_space<vmem>> -> memref<128xf32, #tpu.memory_space<vmem>>
      %dma_start3A_126 = arith.constant 0 : i32
      %dma_start3A_127 = tpu.memref_slice %arg3[%select_n3A, %sub3A_78, %dma_start3A_126] : memref<26x32x128xf32, #tpu.memory_space<hbm>> -> memref<1x1x128xf32, #tpu.memory_space<hbm>>
      %dma_start3A_128 = tpu.memref_squeeze %dma_start3A_127 : memref<1x1x128xf32, #tpu.memory_space<hbm>> -> memref<128xf32, #tpu.memory_space<hbm>>
      tpu.enqueue_dma source(%dma_start3A_128 : memref<128xf32, #tpu.memory_space<hbm>>) target(%dma_start3A_125 : memref<128xf32, #tpu.memory_space<vmem>>) target_semaphore(%arg11 : memref<!tpu.dma_semaphore, #tpu.memory_space<semaphore_mem>>)
      %dma_start3A_129 = arith.constant 0 : i32
      %dma_start3A_130 = tpu.memref_slice %arg4[%select_n3A, %dma_start3A_129] : memref<26x16384xi32, #tpu.memory_space<hbm>> -> memref<1x16384xi32, #tpu.memory_space<hbm>>
      %dma_start3A_131 = tpu.memref_squeeze %dma_start3A_130 : memref<1x16384xi32, #tpu.memory_space<hbm>> -> memref<16384xi32, #tpu.memory_space<hbm>>
      %dma_start3A_132 = arith.constant 0 : i32
      %dma_start3A_133 = tpu.memref_slice %arg4[%select_n3A, %dma_start3A_132] : memref<26x16384xi32, #tpu.memory_space<hbm>> -> memref<1x16384xi32, #tpu.memory_space<hbm>>
      %dma_start3A_134 = tpu.memref_squeeze %dma_start3A_133 : memref<1x16384xi32, #tpu.memory_space<hbm>> -> memref<16384xi32, #tpu.memory_space<hbm>>
      tpu.enqueue_dma source(%dma_start3A_134 : memref<16384xi32, #tpu.memory_space<hbm>>) target(%arg8 : memref<16384xi32, #tpu.memory_space<vmem>>) target_semaphore(%arg11 : memref<!tpu.dma_semaphore, #tpu.memory_space<semaphore_mem>>)
      %dma_wait3A_135 = arith.constant 0 : i32
      %dma_wait3A_136 = tpu.memref_slice %arg7[%dma_wait3A_135] : memref<100096xf32, #tpu.memory_space<vmem>> -> memref<25088xf32, #tpu.memory_space<vmem>>
      %dma_wait3A_137 = arith.constant 0 : i32
      %dma_wait3A_138 = tpu.memref_slice %arg2[%select_n3A, %sub3A_78, %dma_wait3A_137] : memref<26x32x100001xf32, #tpu.memory_space<hbm>> -> memref<1x1x25088xf32, #tpu.memory_space<hbm>>
      %dma_wait3A_139 = tpu.memref_squeeze %dma_wait3A_138 : memref<1x1x25088xf32, #tpu.memory_space<hbm>> -> memref<25088xf32, #tpu.memory_space<hbm>>
      %dma_wait3A_140 = arith.constant 0 : i32
      %dma_wait3A_141 = tpu.memref_slice %arg7[%dma_wait3A_140] : memref<100096xf32, #tpu.memory_space<vmem>> -> memref<25088xf32, #tpu.memory_space<vmem>>
      %dma_wait3A_142 = arith.constant 0 : i32
      %dma_wait3A_143 = tpu.memref_slice %arg2[%select_n3A, %sub3A_78, %dma_wait3A_142] : memref<26x32x100001xf32, #tpu.memory_space<hbm>> -> memref<1x1x25088xf32, #tpu.memory_space<hbm>>
      %dma_wait3A_144 = tpu.memref_squeeze %dma_wait3A_143 : memref<1x1x25088xf32, #tpu.memory_space<hbm>> -> memref<25088xf32, #tpu.memory_space<hbm>>
      tpu.wait_dma2 semaphore(%arg11 : memref<!tpu.dma_semaphore, #tpu.memory_space<semaphore_mem>>) src(%dma_wait3A_144 : memref<25088xf32, #tpu.memory_space<hbm>>) dst(%dma_wait3A_141 : memref<25088xf32, #tpu.memory_space<vmem>>)
      %dma_wait3A_145 = arith.constant 25088 : i32
      %dma_wait3A_146 = tpu.memref_slice %arg7[%dma_wait3A_145] : memref<100096xf32, #tpu.memory_space<vmem>> -> memref<25088xf32, #tpu.memory_space<vmem>>
      %dma_wait3A_147 = arith.constant 25088 : i32
      %dma_wait3A_148 = tpu.memref_slice %arg2[%select_n3A, %sub3A_78, %dma_wait3A_147] : memref<26x32x100001xf32, #tpu.memory_space<hbm>> -> memref<1x1x25088xf32, #tpu.memory_space<hbm>>
      %dma_wait3A_149 = tpu.memref_squeeze %dma_wait3A_148 : memref<1x1x25088xf32, #tpu.memory_space<hbm>> -> memref<25088xf32, #tpu.memory_space<hbm>>
      %dma_wait3A_150 = arith.constant 25088 : i32
      %dma_wait3A_151 = tpu.memref_slice %arg7[%dma_wait3A_150] : memref<100096xf32, #tpu.memory_space<vmem>> -> memref<25088xf32, #tpu.memory_space<vmem>>
      %dma_wait3A_152 = arith.constant 25088 : i32
      %dma_wait3A_153 = tpu.memref_slice %arg2[%select_n3A, %sub3A_78, %dma_wait3A_152] : memref<26x32x100001xf32, #tpu.memory_space<hbm>> -> memref<1x1x25088xf32, #tpu.memory_space<hbm>>
      %dma_wait3A_154 = tpu.memref_squeeze %dma_wait3A_153 : memref<1x1x25088xf32, #tpu.memory_space<hbm>> -> memref<25088xf32, #tpu.memory_space<hbm>>
      tpu.wait_dma2 semaphore(%arg11 : memref<!tpu.dma_semaphore, #tpu.memory_space<semaphore_mem>>) src(%dma_wait3A_154 : memref<25088xf32, #tpu.memory_space<hbm>>) dst(%dma_wait3A_151 : memref<25088xf32, #tpu.memory_space<vmem>>)
      %dma_wait3A_155 = arith.constant 50176 : i32
      %dma_wait3A_156 = tpu.memref_slice %arg7[%dma_wait3A_155] : memref<100096xf32, #tpu.memory_space<vmem>> -> memref<25088xf32, #tpu.memory_space<vmem>>
      %dma_wait3A_157 = arith.constant 50176 : i32
      %dma_wait3A_158 = tpu.memref_slice %arg2[%select_n3A, %sub3A_78, %dma_wait3A_157] : memref<26x32x100001xf32, #tpu.memory_space<hbm>> -> memref<1x1x25088xf32, #tpu.memory_space<hbm>>
      %dma_wait3A_159 = tpu.memref_squeeze %dma_wait3A_158 : memref<1x1x25088xf32, #tpu.memory_space<hbm>> -> memref<25088xf32, #tpu.memory_space<hbm>>
      %dma_wait3A_160 = arith.constant 50176 : i32
      %dma_wait3A_161 = tpu.memref_slice %arg7[%dma_wait3A_160] : memref<100096xf32, #tpu.memory_space<vmem>> -> memref<25088xf32, #tpu.memory_space<vmem>>
      %dma_wait3A_162 = arith.constant 50176 : i32
      %dma_wait3A_163 = tpu.memref_slice %arg2[%select_n3A, %sub3A_78, %dma_wait3A_162] : memref<26x32x100001xf32, #tpu.memory_space<hbm>> -> memref<1x1x25088xf32, #tpu.memory_space<hbm>>
      %dma_wait3A_164 = tpu.memref_squeeze %dma_wait3A_163 : memref<1x1x25088xf32, #tpu.memory_space<hbm>> -> memref<25088xf32, #tpu.memory_space<hbm>>
      tpu.wait_dma2 semaphore(%arg11 : memref<!tpu.dma_semaphore, #tpu.memory_space<semaphore_mem>>) src(%dma_wait3A_164 : memref<25088xf32, #tpu.memory_space<hbm>>) dst(%dma_wait3A_161 : memref<25088xf32, #tpu.memory_space<vmem>>)
      %dma_wait3A_165 = arith.constant 75264 : i32
      %dma_wait3A_166 = tpu.memref_slice %arg7[%dma_wait3A_165] : memref<100096xf32, #tpu.memory_space<vmem>> -> memref<24704xf32, #tpu.memory_space<vmem>>
      %dma_wait3A_167 = arith.constant 75264 : i32
      %dma_wait3A_168 = tpu.memref_slice %arg2[%select_n3A, %sub3A_78, %dma_wait3A_167] : memref<26x32x100001xf32, #tpu.memory_space<hbm>> -> memref<1x1x24704xf32, #tpu.memory_space<hbm>>
      %dma_wait3A_169 = tpu.memref_squeeze %dma_wait3A_168 : memref<1x1x24704xf32, #tpu.memory_space<hbm>> -> memref<24704xf32, #tpu.memory_space<hbm>>
      %dma_wait3A_170 = arith.constant 75264 : i32
      %dma_wait3A_171 = tpu.memref_slice %arg7[%dma_wait3A_170] : memref<100096xf32, #tpu.memory_space<vmem>> -> memref<24704xf32, #tpu.memory_space<vmem>>
      %dma_wait3A_172 = arith.constant 75264 : i32
      %dma_wait3A_173 = tpu.memref_slice %arg2[%select_n3A, %sub3A_78, %dma_wait3A_172] : memref<26x32x100001xf32, #tpu.memory_space<hbm>> -> memref<1x1x24704xf32, #tpu.memory_space<hbm>>
      %dma_wait3A_174 = tpu.memref_squeeze %dma_wait3A_173 : memref<1x1x24704xf32, #tpu.memory_space<hbm>> -> memref<24704xf32, #tpu.memory_space<hbm>>
      tpu.wait_dma2 semaphore(%arg11 : memref<!tpu.dma_semaphore, #tpu.memory_space<semaphore_mem>>) src(%dma_wait3A_174 : memref<24704xf32, #tpu.memory_space<hbm>>) dst(%dma_wait3A_171 : memref<24704xf32, #tpu.memory_space<vmem>>)
      %dma_wait3A_175 = arith.constant 99968 : i32
      %dma_wait3A_176 = tpu.memref_slice %arg7[%dma_wait3A_175] : memref<100096xf32, #tpu.memory_space<vmem>> -> memref<128xf32, #tpu.memory_space<vmem>>
      %dma_wait3A_177 = arith.constant 0 : i32
      %dma_wait3A_178 = tpu.memref_slice %arg3[%select_n3A, %sub3A_78, %dma_wait3A_177] : memref<26x32x128xf32, #tpu.memory_space<hbm>> -> memref<1x1x128xf32, #tpu.memory_space<hbm>>
      %dma_wait3A_179 = tpu.memref_squeeze %dma_wait3A_178 : memref<1x1x128xf32, #tpu.memory_space<hbm>> -> memref<128xf32, #tpu.memory_space<hbm>>
      %dma_wait3A_180 = arith.constant 99968 : i32
      %dma_wait3A_181 = tpu.memref_slice %arg7[%dma_wait3A_180] : memref<100096xf32, #tpu.memory_space<vmem>> -> memref<128xf32, #tpu.memory_space<vmem>>
      %dma_wait3A_182 = arith.constant 0 : i32
      %dma_wait3A_183 = tpu.memref_slice %arg3[%select_n3A, %sub3A_78, %dma_wait3A_182] : memref<26x32x128xf32, #tpu.memory_space<hbm>> -> memref<1x1x128xf32, #tpu.memory_space<hbm>>
      %dma_wait3A_184 = tpu.memref_squeeze %dma_wait3A_183 : memref<1x1x128xf32, #tpu.memory_space<hbm>> -> memref<128xf32, #tpu.memory_space<hbm>>
      tpu.wait_dma2 semaphore(%arg11 : memref<!tpu.dma_semaphore, #tpu.memory_space<semaphore_mem>>) src(%dma_wait3A_184 : memref<128xf32, #tpu.memory_space<hbm>>) dst(%dma_wait3A_181 : memref<128xf32, #tpu.memory_space<vmem>>)
      %dma_wait3A_185 = arith.constant 0 : i32
      %dma_wait3A_186 = tpu.memref_slice %arg4[%select_n3A, %dma_wait3A_185] : memref<26x16384xi32, #tpu.memory_space<hbm>> -> memref<1x16384xi32, #tpu.memory_space<hbm>>
      %dma_wait3A_187 = tpu.memref_squeeze %dma_wait3A_186 : memref<1x16384xi32, #tpu.memory_space<hbm>> -> memref<16384xi32, #tpu.memory_space<hbm>>
      %dma_wait3A_188 = arith.constant 0 : i32
      %dma_wait3A_189 = tpu.memref_slice %arg4[%select_n3A, %dma_wait3A_188] : memref<26x16384xi32, #tpu.memory_space<hbm>> -> memref<1x16384xi32, #tpu.memory_space<hbm>>
      %dma_wait3A_190 = tpu.memref_squeeze %dma_wait3A_189 : memref<1x16384xi32, #tpu.memory_space<hbm>> -> memref<16384xi32, #tpu.memory_space<hbm>>
      tpu.wait_dma2 semaphore(%arg11 : memref<!tpu.dma_semaphore, #tpu.memory_space<semaphore_mem>>) src(%dma_wait3A_190 : memref<16384xi32, #tpu.memory_space<hbm>>) dst(%arg8 : memref<16384xi32, #tpu.memory_space<vmem>>)
      %get3A = arith.index_cast %select_n3A : i32 to index
      %get3A_191 = arith.constant 0 : index
      %get3A_192 = tpu.vector_load %arg10[%get3A, %get3A_191] {strides = array<i32>} : memref<26x16xf32, #tpu.memory_space<vmem>>, vector<16xf32>,
      %dma_wait3A_193 = arith.constant 0 : i32
      %dma_wait3A_194 = arith.constant 0 : i32
      %dma_wait3A_195 = tpu.memref_slice %arg9[%dma_wait3A_193, %dma_wait3A_194] : memref<2x4096xf32, #tpu.memory_space<vmem>> -> memref<1x4096xf32, #tpu.memory_space<vmem>>
      %dma_wait3A_196 = tpu.memref_squeeze %dma_wait3A_195 : memref<1x4096xf32, #tpu.memory_space<vmem>> -> memref<4096xf32, #tpu.memory_space<vmem>>
      %dma_wait3A_197 = arith.constant 0 : i32
      %dma_wait3A_198 = tpu.memref_slice %arg6[%add3A_59, %dma_wait3A_197] : memref<832x16384xf32, #tpu.memory_space<hbm>> -> memref<1x4096xf32, #tpu.memory_space<hbm>>
      %dma_wait3A_199 = tpu.memref_squeeze %dma_wait3A_198 : memref<1x4096xf32, #tpu.memory_space<hbm>> -> memref<4096xf32, #tpu.memory_space<hbm>>
      %dma_wait3A_200 = arith.constant 0 : i32
      %dma_wait3A_201 = tpu.memref_slice %arg6[%add3A_59, %dma_wait3A_200] : memref<832x16384xf32, #tpu.memory_space<hbm>> -> memref<1x4096xf32, #tpu.memory_space<hbm>>
      %dma_wait3A_202 = tpu.memref_squeeze %dma_wait3A_201 : memref<1x4096xf32, #tpu.memory_space<hbm>> -> memref<4096xf32, #tpu.memory_space<hbm>>
      %dma_wait3A_203 = arith.constant 0 : i32
      %dma_wait3A_204 = tpu.memref_slice %arg9[%dma_wait3A_193, %dma_wait3A_203] : memref<2x4096xf32, #tpu.memory_space<vmem>> -> memref<1x4096xf32, #tpu.memory_space<vmem>>
      %dma_wait3A_205 = tpu.memref_squeeze %dma_wait3A_204 : memref<1x4096xf32, #tpu.memory_space<vmem>> -> memref<4096xf32, #tpu.memory_space<vmem>>
      tpu.wait_dma2 semaphore(%arg12 : memref<!tpu.dma_semaphore, #tpu.memory_space<semaphore_mem>>) src(%dma_wait3A_205 : memref<4096xf32, #tpu.memory_space<vmem>>) dst(%dma_wait3A_202 : memref<4096xf32, #tpu.memory_space<hbm>>)
      %parallel_loop3A = arith.constant 0 : i32
      %parallel_loop3A_206 = arith.constant 256 : i32
      %parallel_loop3A_207 = arith.constant 1 : i32
      scf.for %parallel_loop3A_308 = %parallel_loop3A to %parallel_loop3A_206 step %parallel_loop3A_207  : i32 {
        %parallel_loop3A_309 = arith.constant 16 : i32
        %parallel_loop3A_310 = arith.muli %parallel_loop3A_308, %parallel_loop3A_309 : i32
        %parallel_loop3A_311 = arith.constant 0 : i32
        %parallel_loop3A_312 = arith.addi %parallel_loop3A_311, %parallel_loop3A_310 : i32
        %parallel_loop3A_313 = arith.index_cast %parallel_loop3A_312 : i32 to index
        %parallel_loop3A_314 = tpu.vector_load %arg8[%parallel_loop3A_313] {strides = array<i32>} : memref<16384xi32, #tpu.memory_space<vmem>>, vector<16xi32>,
        %parallel_loop3A_315 = arith.constant 0 : i32
        %parallel_loop3A_316 = vector.broadcast %parallel_loop3A_315 : i32 to vector<16xi32>
        %parallel_loop3A_317 = arith.cmpi sge, %parallel_loop3A_314, %parallel_loop3A_316 : vector<16xi32>
        %parallel_loop3A_318 = arith.constant 100000 : i32
        %parallel_loop3A_319 = vector.broadcast %parallel_loop3A_318 : i32 to vector<16xi32>
        %parallel_loop3A_320 = arith.cmpi slt, %parallel_loop3A_314, %parallel_loop3A_319 : vector<16xi32>
        %parallel_loop3A_321 = arith.andi %parallel_loop3A_317, %parallel_loop3A_320 : vector<16xi1>
        %parallel_loop3A_322 = arith.constant 1 : i32
        %parallel_loop3A_323 = vector.broadcast %parallel_loop3A_322 : i32 to vector<16xi32>
        %parallel_loop3A_324 = arith.addi %parallel_loop3A_314, %parallel_loop3A_323 : vector<16xi32>
        %parallel_loop3A_325 = arith.constant 0 : i32
        %parallel_loop3A_326 = vector.broadcast %parallel_loop3A_325 : i32 to vector<16xi32>
        %parallel_loop3A_327 = arith.select %parallel_loop3A_321, %parallel_loop3A_324, %parallel_loop3A_326 : vector<16xi1>, vector<16xi32>
        %parallel_loop3A_328 = tpu.vector_load_idx %arg7[%parallel_loop3A_327] : memref<100096xf32, #tpu.memory_space<vmem>>[vector<16xi32>], vector<16xf32>,
        %parallel_loop3A_329 = arith.mulf %parallel_loop3A_328, %get3A_192 : vector<16xf32>
        %parallel_loop3A_330 = arith.constant 0 : i32
        %parallel_loop3A_331 = arith.index_cast %parallel_loop3A_330 : i32 to index
        %parallel_loop3A_332 = arith.index_cast %parallel_loop3A_310 : i32 to index
        %parallel_loop3A_333 = tpu.vector_load %arg9[%parallel_loop3A_331, %parallel_loop3A_332] {strides = array<i32>} : memref<2x4096xf32, #tpu.memory_space<vmem>>, vector<16xf32>,
        tpu.vector_store %arg9[%parallel_loop3A_331, %parallel_loop3A_332], %parallel_loop3A_329 {strides = array<i32>} : memref<2x4096xf32, #tpu.memory_space<vmem>>, vector<16xf32>,
      } {sc.loop_unroll_factor = 8 : i64, sc.parallel_access}
      %dma_start3A_208 = arith.constant 0 : i32
      %dma_start3A_209 = arith.constant 0 : i32
      %dma_start3A_210 = tpu.memref_slice %arg9[%dma_start3A_208, %dma_start3A_209] : memref<2x4096xf32, #tpu.memory_space<vmem>> -> memref<1x4096xf32, #tpu.memory_space<vmem>>
      %dma_start3A_211 = tpu.memref_squeeze %dma_start3A_210 : memref<1x4096xf32, #tpu.memory_space<vmem>> -> memref<4096xf32, #tpu.memory_space<vmem>>
      %dma_start3A_212 = arith.constant 0 : i32
      %dma_start3A_213 = tpu.memref_slice %arg6[%add3A_59, %dma_start3A_212] : memref<832x16384xf32, #tpu.memory_space<hbm>> -> memref<1x4096xf32, #tpu.memory_space<hbm>>
      %dma_start3A_214 = tpu.memref_squeeze %dma_start3A_213 : memref<1x4096xf32, #tpu.memory_space<hbm>> -> memref<4096xf32, #tpu.memory_space<hbm>>
      %dma_start3A_215 = arith.constant 0 : i32
      %dma_start3A_216 = tpu.memref_slice %arg6[%add3A_59, %dma_start3A_215] : memref<832x16384xf32, #tpu.memory_space<hbm>> -> memref<1x4096xf32, #tpu.memory_space<hbm>>
      %dma_start3A_217 = tpu.memref_squeeze %dma_start3A_216 : memref<1x4096xf32, #tpu.memory_space<hbm>> -> memref<4096xf32, #tpu.memory_space<hbm>>
      %dma_start3A_218 = arith.constant 0 : i32
      %dma_start3A_219 = tpu.memref_slice %arg9[%dma_start3A_208, %dma_start3A_218] : memref<2x4096xf32, #tpu.memory_space<vmem>> -> memref<1x4096xf32, #tpu.memory_space<vmem>>
      %dma_start3A_220 = tpu.memref_squeeze %dma_start3A_219 : memref<1x4096xf32, #tpu.memory_space<vmem>> -> memref<4096xf32, #tpu.memory_space<vmem>>
      tpu.enqueue_dma source(%dma_start3A_220 : memref<4096xf32, #tpu.memory_space<vmem>>) target(%dma_start3A_217 : memref<4096xf32, #tpu.memory_space<hbm>>) target_semaphore(%arg12 : memref<!tpu.dma_semaphore, #tpu.memory_space<semaphore_mem>>)
      %dma_wait3A_221 = arith.constant 1 : i32
      %dma_wait3A_222 = arith.constant 0 : i32
      %dma_wait3A_223 = tpu.memref_slice %arg9[%dma_wait3A_221, %dma_wait3A_222] : memref<2x4096xf32, #tpu.memory_space<vmem>> -> memref<1x4096xf32, #tpu.memory_space<vmem>>
      %dma_wait3A_224 = tpu.memref_squeeze %dma_wait3A_223 : memref<1x4096xf32, #tpu.memory_space<vmem>> -> memref<4096xf32, #tpu.memory_space<vmem>>
      %dma_wait3A_225 = arith.constant 4096 : i32
      %dma_wait3A_226 = tpu.memref_slice %arg6[%add3A_59, %dma_wait3A_225] : memref<832x16384xf32, #tpu.memory_space<hbm>> -> memref<1x4096xf32, #tpu.memory_space<hbm>>
      %dma_wait3A_227 = tpu.memref_squeeze %dma_wait3A_226 : memref<1x4096xf32, #tpu.memory_space<hbm>> -> memref<4096xf32, #tpu.memory_space<hbm>>
      %dma_wait3A_228 = arith.constant 4096 : i32
      %dma_wait3A_229 = tpu.memref_slice %arg6[%add3A_59, %dma_wait3A_228] : memref<832x16384xf32, #tpu.memory_space<hbm>> -> memref<1x4096xf32, #tpu.memory_space<hbm>>
      %dma_wait3A_230 = tpu.memref_squeeze %dma_wait3A_229 : memref<1x4096xf32, #tpu.memory_space<hbm>> -> memref<4096xf32, #tpu.memory_space<hbm>>
      %dma_wait3A_231 = arith.constant 0 : i32
      %dma_wait3A_232 = tpu.memref_slice %arg9[%dma_wait3A_221, %dma_wait3A_231] : memref<2x4096xf32, #tpu.memory_space<vmem>> -> memref<1x4096xf32, #tpu.memory_space<vmem>>
      %dma_wait3A_233 = tpu.memref_squeeze %dma_wait3A_232 : memref<1x4096xf32, #tpu.memory_space<vmem>> -> memref<4096xf32, #tpu.memory_space<vmem>>
      tpu.wait_dma2 semaphore(%arg12 : memref<!tpu.dma_semaphore, #tpu.memory_space<semaphore_mem>>) src(%dma_wait3A_233 : memref<4096xf32, #tpu.memory_space<vmem>>) dst(%dma_wait3A_230 : memref<4096xf32, #tpu.memory_space<hbm>>)
      %parallel_loop3A_234 = arith.constant 0 : i32
      %parallel_loop3A_235 = arith.constant 256 : i32
      %parallel_loop3A_236 = arith.constant 1 : i32
      scf.for %parallel_loop3A_308 = %parallel_loop3A_234 to %parallel_loop3A_235 step %parallel_loop3A_236  : i32 {
        %parallel_loop3A_309 = arith.constant 16 : i32
        %parallel_loop3A_310 = arith.muli %parallel_loop3A_308, %parallel_loop3A_309 : i32
        %parallel_loop3A_311 = arith.constant 4096 : i32
        %parallel_loop3A_312 = arith.addi %parallel_loop3A_311, %parallel_loop3A_310 : i32
        %parallel_loop3A_313 = arith.index_cast %parallel_loop3A_312 : i32 to index
        %parallel_loop3A_314 = tpu.vector_load %arg8[%parallel_loop3A_313] {strides = array<i32>} : memref<16384xi32, #tpu.memory_space<vmem>>, vector<16xi32>,
        %parallel_loop3A_315 = arith.constant 0 : i32
        %parallel_loop3A_316 = vector.broadcast %parallel_loop3A_315 : i32 to vector<16xi32>
        %parallel_loop3A_317 = arith.cmpi sge, %parallel_loop3A_314, %parallel_loop3A_316 : vector<16xi32>
        %parallel_loop3A_318 = arith.constant 100000 : i32
        %parallel_loop3A_319 = vector.broadcast %parallel_loop3A_318 : i32 to vector<16xi32>
        %parallel_loop3A_320 = arith.cmpi slt, %parallel_loop3A_314, %parallel_loop3A_319 : vector<16xi32>
        %parallel_loop3A_321 = arith.andi %parallel_loop3A_317, %parallel_loop3A_320 : vector<16xi1>
        %parallel_loop3A_322 = arith.constant 1 : i32
        %parallel_loop3A_323 = vector.broadcast %parallel_loop3A_322 : i32 to vector<16xi32>
        %parallel_loop3A_324 = arith.addi %parallel_loop3A_314, %parallel_loop3A_323 : vector<16xi32>
        %parallel_loop3A_325 = arith.constant 0 : i32
        %parallel_loop3A_326 = vector.broadcast %parallel_loop3A_325 : i32 to vector<16xi32>
        %parallel_loop3A_327 = arith.select %parallel_loop3A_321, %parallel_loop3A_324, %parallel_loop3A_326 : vector<16xi1>, vector<16xi32>
        %parallel_loop3A_328 = tpu.vector_load_idx %arg7[%parallel_loop3A_327] : memref<100096xf32, #tpu.memory_space<vmem>>[vector<16xi32>], vector<16xf32>,
        %parallel_loop3A_329 = arith.mulf %parallel_loop3A_328, %get3A_192 : vector<16xf32>
        %parallel_loop3A_330 = arith.constant 1 : i32
        %parallel_loop3A_331 = arith.index_cast %parallel_loop3A_330 : i32 to index
        %parallel_loop3A_332 = arith.index_cast %parallel_loop3A_310 : i32 to index
        %parallel_loop3A_333 = tpu.vector_load %arg9[%parallel_loop3A_331, %parallel_loop3A_332] {strides = array<i32>} : memref<2x4096xf32, #tpu.memory_space<vmem>>, vector<16xf32>,
        tpu.vector_store %arg9[%parallel_loop3A_331, %parallel_loop3A_332], %parallel_loop3A_329 {strides = array<i32>} : memref<2x4096xf32, #tpu.memory_space<vmem>>, vector<16xf32>,
      } {sc.loop_unroll_factor = 8 : i64, sc.parallel_access}
      %dma_start3A_237 = arith.constant 1 : i32
      %dma_start3A_238 = arith.constant 0 : i32
      %dma_start3A_239 = tpu.memref_slice %arg9[%dma_start3A_237, %dma_start3A_238] : memref<2x4096xf32, #tpu.memory_space<vmem>> -> memref<1x4096xf32, #tpu.memory_space<vmem>>
      %dma_start3A_240 = tpu.memref_squeeze %dma_start3A_239 : memref<1x4096xf32, #tpu.memory_space<vmem>> -> memref<4096xf32, #tpu.memory_space<vmem>>
      %dma_start3A_241 = arith.constant 4096 : i32
      %dma_start3A_242 = tpu.memref_slice %arg6[%add3A_59, %dma_start3A_241] : memref<832x16384xf32, #tpu.memory_space<hbm>> -> memref<1x4096xf32, #tpu.memory_space<hbm>>
      %dma_start3A_243 = tpu.memref_squeeze %dma_start3A_242 : memref<1x4096xf32, #tpu.memory_space<hbm>> -> memref<4096xf32, #tpu.memory_space<hbm>>
      %dma_start3A_244 = arith.constant 4096 : i32
      %dma_start3A_245 = tpu.memref_slice %arg6[%add3A_59, %dma_start3A_244] : memref<832x16384xf32, #tpu.memory_space<hbm>> -> memref<1x4096xf32, #tpu.memory_space<hbm>>
      %dma_start3A_246 = tpu.memref_squeeze %dma_start3A_245 : memref<1x4096xf32, #tpu.memory_space<hbm>> -> memref<4096xf32, #tpu.memory_space<hbm>>
      %dma_start3A_247 = arith.constant 0 : i32
      %dma_start3A_248 = tpu.memref_slice %arg9[%dma_start3A_237, %dma_start3A_247] : memref<2x4096xf32, #tpu.memory_space<vmem>> -> memref<1x4096xf32, #tpu.memory_space<vmem>>
      %dma_start3A_249 = tpu.memref_squeeze %dma_start3A_248 : memref<1x4096xf32, #tpu.memory_space<vmem>> -> memref<4096xf32, #tpu.memory_space<vmem>>
      tpu.enqueue_dma source(%dma_start3A_249 : memref<4096xf32, #tpu.memory_space<vmem>>) target(%dma_start3A_246 : memref<4096xf32, #tpu.memory_space<hbm>>) target_semaphore(%arg12 : memref<!tpu.dma_semaphore, #tpu.memory_space<semaphore_mem>>)
      %dma_wait3A_250 = arith.constant 0 : i32
      %dma_wait3A_251 = arith.constant 0 : i32
      %dma_wait3A_252 = tpu.memref_slice %arg9[%dma_wait3A_250, %dma_wait3A_251] : memref<2x4096xf32, #tpu.memory_space<vmem>> -> memref<1x4096xf32, #tpu.memory_space<vmem>>
      %dma_wait3A_253 = tpu.memref_squeeze %dma_wait3A_252 : memref<1x4096xf32, #tpu.memory_space<vmem>> -> memref<4096xf32, #tpu.memory_space<vmem>>
      %dma_wait3A_254 = arith.constant 8192 : i32
      %dma_wait3A_255 = tpu.memref_slice %arg6[%add3A_59, %dma_wait3A_254] : memref<832x16384xf32, #tpu.memory_space<hbm>> -> memref<1x4096xf32, #tpu.memory_space<hbm>>
      %dma_wait3A_256 = tpu.memref_squeeze %dma_wait3A_255 : memref<1x4096xf32, #tpu.memory_space<hbm>> -> memref<4096xf32, #tpu.memory_space<hbm>>
      %dma_wait3A_257 = arith.constant 8192 : i32
      %dma_wait3A_258 = tpu.memref_slice %arg6[%add3A_59, %dma_wait3A_257] : memref<832x16384xf32, #tpu.memory_space<hbm>> -> memref<1x4096xf32, #tpu.memory_space<hbm>>
      %dma_wait3A_259 = tpu.memref_squeeze %dma_wait3A_258 : memref<1x4096xf32, #tpu.memory_space<hbm>> -> memref<4096xf32, #tpu.memory_space<hbm>>
      %dma_wait3A_260 = arith.constant 0 : i32
      %dma_wait3A_261 = tpu.memref_slice %arg9[%dma_wait3A_250, %dma_wait3A_260] : memref<2x4096xf32, #tpu.memory_space<vmem>> -> memref<1x4096xf32, #tpu.memory_space<vmem>>
      %dma_wait3A_262 = tpu.memref_squeeze %dma_wait3A_261 : memref<1x4096xf32, #tpu.memory_space<vmem>> -> memref<4096xf32, #tpu.memory_space<vmem>>
      tpu.wait_dma2 semaphore(%arg12 : memref<!tpu.dma_semaphore, #tpu.memory_space<semaphore_mem>>) src(%dma_wait3A_262 : memref<4096xf32, #tpu.memory_space<vmem>>) dst(%dma_wait3A_259 : memref<4096xf32, #tpu.memory_space<hbm>>)
      %parallel_loop3A_263 = arith.constant 0 : i32
      %parallel_loop3A_264 = arith.constant 256 : i32
      %parallel_loop3A_265 = arith.constant 1 : i32
      scf.for %parallel_loop3A_308 = %parallel_loop3A_263 to %parallel_loop3A_264 step %parallel_loop3A_265  : i32 {
        %parallel_loop3A_309 = arith.constant 16 : i32
        %parallel_loop3A_310 = arith.muli %parallel_loop3A_308, %parallel_loop3A_309 : i32
        %parallel_loop3A_311 = arith.constant 8192 : i32
        %parallel_loop3A_312 = arith.addi %parallel_loop3A_311, %parallel_loop3A_310 : i32
        %parallel_loop3A_313 = arith.index_cast %parallel_loop3A_312 : i32 to index
        %parallel_loop3A_314 = tpu.vector_load %arg8[%parallel_loop3A_313] {strides = array<i32>} : memref<16384xi32, #tpu.memory_space<vmem>>, vector<16xi32>,
        %parallel_loop3A_315 = arith.constant 0 : i32
        %parallel_loop3A_316 = vector.broadcast %parallel_loop3A_315 : i32 to vector<16xi32>
        %parallel_loop3A_317 = arith.cmpi sge, %parallel_loop3A_314, %parallel_loop3A_316 : vector<16xi32>
        %parallel_loop3A_318 = arith.constant 100000 : i32
        %parallel_loop3A_319 = vector.broadcast %parallel_loop3A_318 : i32 to vector<16xi32>
        %parallel_loop3A_320 = arith.cmpi slt, %parallel_loop3A_314, %parallel_loop3A_319 : vector<16xi32>
        %parallel_loop3A_321 = arith.andi %parallel_loop3A_317, %parallel_loop3A_320 : vector<16xi1>
        %parallel_loop3A_322 = arith.constant 1 : i32
        %parallel_loop3A_323 = vector.broadcast %parallel_loop3A_322 : i32 to vector<16xi32>
        %parallel_loop3A_324 = arith.addi %parallel_loop3A_314, %parallel_loop3A_323 : vector<16xi32>
        %parallel_loop3A_325 = arith.constant 0 : i32
        %parallel_loop3A_326 = vector.broadcast %parallel_loop3A_325 : i32 to vector<16xi32>
        %parallel_loop3A_327 = arith.select %parallel_loop3A_321, %parallel_loop3A_324, %parallel_loop3A_326 : vector<16xi1>, vector<16xi32>
        %parallel_loop3A_328 = tpu.vector_load_idx %arg7[%parallel_loop3A_327] : memref<100096xf32, #tpu.memory_space<vmem>>[vector<16xi32>], vector<16xf32>,
        %parallel_loop3A_329 = arith.mulf %parallel_loop3A_328, %get3A_192 : vector<16xf32>
        %parallel_loop3A_330 = arith.constant 0 : i32
        %parallel_loop3A_331 = arith.index_cast %parallel_loop3A_330 : i32 to index
        %parallel_loop3A_332 = arith.index_cast %parallel_loop3A_310 : i32 to index
        %parallel_loop3A_333 = tpu.vector_load %arg9[%parallel_loop3A_331, %parallel_loop3A_332] {strides = array<i32>} : memref<2x4096xf32, #tpu.memory_space<vmem>>, vector<16xf32>,
        tpu.vector_store %arg9[%parallel_loop3A_331, %parallel_loop3A_332], %parallel_loop3A_329 {strides = array<i32>} : memref<2x4096xf32, #tpu.memory_space<vmem>>, vector<16xf32>,
      } {sc.loop_unroll_factor = 8 : i64, sc.parallel_access}
      %dma_start3A_266 = arith.constant 0 : i32
      %dma_start3A_267 = arith.constant 0 : i32
      %dma_start3A_268 = tpu.memref_slice %arg9[%dma_start3A_266, %dma_start3A_267] : memref<2x4096xf32, #tpu.memory_space<vmem>> -> memref<1x4096xf32, #tpu.memory_space<vmem>>
      %dma_start3A_269 = tpu.memref_squeeze %dma_start3A_268 : memref<1x4096xf32, #tpu.memory_space<vmem>> -> memref<4096xf32, #tpu.memory_space<vmem>>
      %dma_start3A_270 = arith.constant 8192 : i32
      %dma_start3A_271 = tpu.memref_slice %arg6[%add3A_59, %dma_start3A_270] : memref<832x16384xf32, #tpu.memory_space<hbm>> -> memref<1x4096xf32, #tpu.memory_space<hbm>>
      %dma_start3A_272 = tpu.memref_squeeze %dma_start3A_271 : memref<1x4096xf32, #tpu.memory_space<hbm>> -> memref<4096xf32, #tpu.memory_space<hbm>>
      %dma_start3A_273 = arith.constant 8192 : i32
      %dma_start3A_274 = tpu.memref_slice %arg6[%add3A_59, %dma_start3A_273] : memref<832x16384xf32, #tpu.memory_space<hbm>> -> memref<1x4096xf32, #tpu.memory_space<hbm>>
      %dma_start3A_275 = tpu.memref_squeeze %dma_start3A_274 : memref<1x4096xf32, #tpu.memory_space<hbm>> -> memref<4096xf32, #tpu.memory_space<hbm>>
      %dma_start3A_276 = arith.constant 0 : i32
      %dma_start3A_277 = tpu.memref_slice %arg9[%dma_start3A_266, %dma_start3A_276] : memref<2x4096xf32, #tpu.memory_space<vmem>> -> memref<1x4096xf32, #tpu.memory_space<vmem>>
      %dma_start3A_278 = tpu.memref_squeeze %dma_start3A_277 : memref<1x4096xf32, #tpu.memory_space<vmem>> -> memref<4096xf32, #tpu.memory_space<vmem>>
      tpu.enqueue_dma source(%dma_start3A_278 : memref<4096xf32, #tpu.memory_space<vmem>>) target(%dma_start3A_275 : memref<4096xf32, #tpu.memory_space<hbm>>) target_semaphore(%arg12 : memref<!tpu.dma_semaphore, #tpu.memory_space<semaphore_mem>>)
      %dma_wait3A_279 = arith.constant 1 : i32
      %dma_wait3A_280 = arith.constant 0 : i32
      %dma_wait3A_281 = tpu.memref_slice %arg9[%dma_wait3A_279, %dma_wait3A_280] : memref<2x4096xf32, #tpu.memory_space<vmem>> -> memref<1x4096xf32, #tpu.memory_space<vmem>>
      %dma_wait3A_282 = tpu.memref_squeeze %dma_wait3A_281 : memref<1x4096xf32, #tpu.memory_space<vmem>> -> memref<4096xf32, #tpu.memory_space<vmem>>
      %dma_wait3A_283 = arith.constant 12288 : i32
      %dma_wait3A_284 = tpu.memref_slice %arg6[%add3A_59, %dma_wait3A_283] : memref<832x16384xf32, #tpu.memory_space<hbm>> -> memref<1x4096xf32, #tpu.memory_space<hbm>>
      %dma_wait3A_285 = tpu.memref_squeeze %dma_wait3A_284 : memref<1x4096xf32, #tpu.memory_space<hbm>> -> memref<4096xf32, #tpu.memory_space<hbm>>
      %dma_wait3A_286 = arith.constant 12288 : i32
      %dma_wait3A_287 = tpu.memref_slice %arg6[%add3A_59, %dma_wait3A_286] : memref<832x16384xf32, #tpu.memory_space<hbm>> -> memref<1x4096xf32, #tpu.memory_space<hbm>>
      %dma_wait3A_288 = tpu.memref_squeeze %dma_wait3A_287 : memref<1x4096xf32, #tpu.memory_space<hbm>> -> memref<4096xf32, #tpu.memory_space<hbm>>
      %dma_wait3A_289 = arith.constant 0 : i32
      %dma_wait3A_290 = tpu.memref_slice %arg9[%dma_wait3A_279, %dma_wait3A_289] : memref<2x4096xf32, #tpu.memory_space<vmem>> -> memref<1x4096xf32, #tpu.memory_space<vmem>>
      %dma_wait3A_291 = tpu.memref_squeeze %dma_wait3A_290 : memref<1x4096xf32, #tpu.memory_space<vmem>> -> memref<4096xf32, #tpu.memory_space<vmem>>
      tpu.wait_dma2 semaphore(%arg12 : memref<!tpu.dma_semaphore, #tpu.memory_space<semaphore_mem>>) src(%dma_wait3A_291 : memref<4096xf32, #tpu.memory_space<vmem>>) dst(%dma_wait3A_288 : memref<4096xf32, #tpu.memory_space<hbm>>)
      %parallel_loop3A_292 = arith.constant 0 : i32
      %parallel_loop3A_293 = arith.constant 256 : i32
      %parallel_loop3A_294 = arith.constant 1 : i32
      scf.for %parallel_loop3A_308 = %parallel_loop3A_292 to %parallel_loop3A_293 step %parallel_loop3A_294  : i32 {
        %parallel_loop3A_309 = arith.constant 16 : i32
        %parallel_loop3A_310 = arith.muli %parallel_loop3A_308, %parallel_loop3A_309 : i32
        %parallel_loop3A_311 = arith.constant 12288 : i32
        %parallel_loop3A_312 = arith.addi %parallel_loop3A_311, %parallel_loop3A_310 : i32
        %parallel_loop3A_313 = arith.index_cast %parallel_loop3A_312 : i32 to index
        %parallel_loop3A_314 = tpu.vector_load %arg8[%parallel_loop3A_313] {strides = array<i32>} : memref<16384xi32, #tpu.memory_space<vmem>>, vector<16xi32>,
        %parallel_loop3A_315 = arith.constant 0 : i32
        %parallel_loop3A_316 = vector.broadcast %parallel_loop3A_315 : i32 to vector<16xi32>
        %parallel_loop3A_317 = arith.cmpi sge, %parallel_loop3A_314, %parallel_loop3A_316 : vector<16xi32>
        %parallel_loop3A_318 = arith.constant 100000 : i32
        %parallel_loop3A_319 = vector.broadcast %parallel_loop3A_318 : i32 to vector<16xi32>
        %parallel_loop3A_320 = arith.cmpi slt, %parallel_loop3A_314, %parallel_loop3A_319 : vector<16xi32>
        %parallel_loop3A_321 = arith.andi %parallel_loop3A_317, %parallel_loop3A_320 : vector<16xi1>
        %parallel_loop3A_322 = arith.constant 1 : i32
        %parallel_loop3A_323 = vector.broadcast %parallel_loop3A_322 : i32 to vector<16xi32>
        %parallel_loop3A_324 = arith.addi %parallel_loop3A_314, %parallel_loop3A_323 : vector<16xi32>
        %parallel_loop3A_325 = arith.constant 0 : i32
        %parallel_loop3A_326 = vector.broadcast %parallel_loop3A_325 : i32 to vector<16xi32>
        %parallel_loop3A_327 = arith.select %parallel_loop3A_321, %parallel_loop3A_324, %parallel_loop3A_326 : vector<16xi1>, vector<16xi32>
        %parallel_loop3A_328 = tpu.vector_load_idx %arg7[%parallel_loop3A_327] : memref<100096xf32, #tpu.memory_space<vmem>>[vector<16xi32>], vector<16xf32>,
        %parallel_loop3A_329 = arith.mulf %parallel_loop3A_328, %get3A_192 : vector<16xf32>
        %parallel_loop3A_330 = arith.constant 1 : i32
        %parallel_loop3A_331 = arith.index_cast %parallel_loop3A_330 : i32 to index
        %parallel_loop3A_332 = arith.index_cast %parallel_loop3A_310 : i32 to index
        %parallel_loop3A_333 = tpu.vector_load %arg9[%parallel_loop3A_331, %parallel_loop3A_332] {strides = array<i32>} : memref<2x4096xf32, #tpu.memory_space<vmem>>, vector<16xf32>,
        tpu.vector_store %arg9[%parallel_loop3A_331, %parallel_loop3A_332], %parallel_loop3A_329 {strides = array<i32>} : memref<2x4096xf32, #tpu.memory_space<vmem>>, vector<16xf32>,
      } {sc.loop_unroll_factor = 8 : i64, sc.parallel_access}
      %dma_start3A_295 = arith.constant 1 : i32
      %dma_start3A_296 = arith.constant 0 : i32
      %dma_start3A_297 = tpu.memref_slice %arg9[%dma_start3A_295, %dma_start3A_296] : memref<2x4096xf32, #tpu.memory_space<vmem>> -> memref<1x4096xf32, #tpu.memory_space<vmem>>
      %dma_start3A_298 = tpu.memref_squeeze %dma_start3A_297 : memref<1x4096xf32, #tpu.memory_space<vmem>> -> memref<4096xf32, #tpu.memory_space<vmem>>
      %dma_start3A_299 = arith.constant 12288 : i32
      %dma_start3A_300 = tpu.memref_slice %arg6[%add3A_59, %dma_start3A_299] : memref<832x16384xf32, #tpu.memory_space<hbm>> -> memref<1x4096xf32, #tpu.memory_space<hbm>>
      %dma_start3A_301 = tpu.memref_squeeze %dma_start3A_300 : memref<1x4096xf32, #tpu.memory_space<hbm>> -> memref<4096xf32, #tpu.memory_space<hbm>>
      %dma_start3A_302 = arith.constant 12288 : i32
      %dma_start3A_303 = tpu.memref_slice %arg6[%add3A_59, %dma_start3A_302] : memref<832x16384xf32, #tpu.memory_space<hbm>> -> memref<1x4096xf32, #tpu.memory_space<hbm>>
      %dma_start3A_304 = tpu.memref_squeeze %dma_start3A_303 : memref<1x4096xf32, #tpu.memory_space<hbm>> -> memref<4096xf32, #tpu.memory_space<hbm>>
      %dma_start3A_305 = arith.constant 0 : i32
      %dma_start3A_306 = tpu.memref_slice %arg9[%dma_start3A_295, %dma_start3A_305] : memref<2x4096xf32, #tpu.memory_space<vmem>> -> memref<1x4096xf32, #tpu.memory_space<vmem>>
      %dma_start3A_307 = tpu.memref_squeeze %dma_start3A_306 : memref<1x4096xf32, #tpu.memory_space<vmem>> -> memref<4096xf32, #tpu.memory_space<vmem>>
      tpu.enqueue_dma source(%dma_start3A_307 : memref<4096xf32, #tpu.memory_space<vmem>>) target(%dma_start3A_304 : memref<4096xf32, #tpu.memory_space<hbm>>) target_semaphore(%arg12 : memref<!tpu.dma_semaphore, #tpu.memory_space<semaphore_mem>>)
    }
    %scan3A_32 = arith.constant 26 : i32
    %dma_wait3A = arith.constant 0 : i32
    %dma_wait3A_33 = arith.constant 0 : i32
    %dma_wait3A_34 = tpu.memref_slice %arg9[%dma_wait3A, %dma_wait3A_33] : memref<2x4096xf32, #tpu.memory_space<vmem>> -> memref<1x4096xf32, #tpu.memory_space<vmem>>
    %dma_wait3A_35 = tpu.memref_squeeze %dma_wait3A_34 : memref<1x4096xf32, #tpu.memory_space<vmem>> -> memref<4096xf32, #tpu.memory_space<vmem>>
    %dma_wait3A_36 = arith.constant 0 : i32
    %dma_wait3A_37 = tpu.memref_slice %arg6[%mul3A_2, %dma_wait3A_36] : memref<832x16384xf32, #tpu.memory_space<hbm>> -> memref<1x4096xf32, #tpu.memory_space<hbm>>
    %dma_wait3A_38 = tpu.memref_squeeze %dma_wait3A_37 : memref<1x4096xf32, #tpu.memory_space<hbm>> -> memref<4096xf32, #tpu.memory_space<hbm>>
    %dma_wait3A_39 = arith.constant 0 : i32
    %dma_wait3A_40 = tpu.memref_slice %arg6[%mul3A_2, %dma_wait3A_39] : memref<832x16384xf32, #tpu.memory_space<hbm>> -> memref<1x4096xf32, #tpu.memory_space<hbm>>
    %dma_wait3A_41 = tpu.memref_squeeze %dma_wait3A_40 : memref<1x4096xf32, #tpu.memory_space<hbm>> -> memref<4096xf32, #tpu.memory_space<hbm>>
    %dma_wait3A_42 = arith.constant 0 : i32
    %dma_wait3A_43 = tpu.memref_slice %arg9[%dma_wait3A, %dma_wait3A_42] : memref<2x4096xf32, #tpu.memory_space<vmem>> -> memref<1x4096xf32, #tpu.memory_space<vmem>>
    %dma_wait3A_44 = tpu.memref_squeeze %dma_wait3A_43 : memref<1x4096xf32, #tpu.memory_space<vmem>> -> memref<4096xf32, #tpu.memory_space<vmem>>
    tpu.wait_dma2 semaphore(%arg12 : memref<!tpu.dma_semaphore, #tpu.memory_space<semaphore_mem>>) src(%dma_wait3A_44 : memref<4096xf32, #tpu.memory_space<vmem>>) dst(%dma_wait3A_41 : memref<4096xf32, #tpu.memory_space<hbm>>)
    %dma_wait3A_45 = arith.constant 1 : i32
    %dma_wait3A_46 = arith.constant 0 : i32
    %dma_wait3A_47 = tpu.memref_slice %arg9[%dma_wait3A_45, %dma_wait3A_46] : memref<2x4096xf32, #tpu.memory_space<vmem>> -> memref<1x4096xf32, #tpu.memory_space<vmem>>
    %dma_wait3A_48 = tpu.memref_squeeze %dma_wait3A_47 : memref<1x4096xf32, #tpu.memory_space<vmem>> -> memref<4096xf32, #tpu.memory_space<vmem>>
    %dma_wait3A_49 = arith.constant 4096 : i32
    %dma_wait3A_50 = tpu.memref_slice %arg6[%mul3A_2, %dma_wait3A_49] : memref<832x16384xf32, #tpu.memory_space<hbm>> -> memref<1x4096xf32, #tpu.memory_space<hbm>>
    %dma_wait3A_51 = tpu.memref_squeeze %dma_wait3A_50 : memref<1x4096xf32, #tpu.memory_space<hbm>> -> memref<4096xf32, #tpu.memory_space<hbm>>
    %dma_wait3A_52 = arith.constant 4096 : i32
    %dma_wait3A_53 = tpu.memref_slice %arg6[%mul3A_2, %dma_wait3A_52] : memref<832x16384xf32, #tpu.memory_space<hbm>> -> memref<1x4096xf32, #tpu.memory_space<hbm>>
    %dma_wait3A_54 = tpu.memref_squeeze %dma_wait3A_53 : memref<1x4096xf32, #tpu.memory_space<hbm>> -> memref<4096xf32, #tpu.memory_space<hbm>>
    %dma_wait3A_55 = arith.constant 0 : i32
    %dma_wait3A_56 = tpu.memref_slice %arg9[%dma_wait3A_45, %dma_wait3A_55] : memref<2x4096xf32, #tpu.memory_space<vmem>> -> memref<1x4096xf32, #tpu.memory_space<vmem>>
    %dma_wait3A_57 = tpu.memref_squeeze %dma_wait3A_56 : memref<1x4096xf32, #tpu.memory_space<vmem>> -> memref<4096xf32, #tpu.memory_space<vmem>>
    tpu.wait_dma2 semaphore(%arg12 : memref<!tpu.dma_semaphore, #tpu.memory_space<semaphore_mem>>) src(%dma_wait3A_57 : memref<4096xf32, #tpu.memory_space<vmem>>) dst(%dma_wait3A_54 : memref<4096xf32, #tpu.memory_space<hbm>>)
    return
  }
}

</mosaic_0001>

<sc_bundles>
// kernel: kernel.3.cloned.1.call-start
scs
__scs_entry_jumppad:
0x0: {  	(pc) =	sbr.rel $0x88, $3  }
0x1: {  	(tag) =	ssettag $0x0;
	lr =	simm.s32 $0x1  }
0x2: {  	[smem:$0x3F9E] =	sst lr;
	_ =	strace $0xD0000000  }
0x3: {  	_ = 	snop  }
0x4: {  	_ = 	snop  }
0x5: {  	_ = 	snop  }
0x6: {  	_ = 	snop  }
0x7: {  	_ = 	snop  }
__scs_overlays_trampoline_lowered:
0x8: {  	[smem:$0x3FAD] =	sst s0  }
0x9: {  	[smem:$0x3FAE] =	sst s1  }
0xa: {  	[smem:$0x3FAF] =	sst s2  }
0xb: {  	[smem:$0x3FB0] =	sst s3  }
0xc: {  	[smem:$0x3FB1] =	sst s4  }
0xd: {  	[smem:$0x3FB2] =	sst s5  }
0xe: {  	[smem:$0x3FB3] =	sst s6  }
0xf: {  	[smem:$0x3FB4] =	sst s7  }
0x10: {  	[smem:$0x3FB5] =	sst s8  }
0x11: {  	[smem:$0x3FB6] =	sst s9;
	s0 =	simm.s32 @!p0 $0x0  }
0x12: {  	s1 =	sld [smem:$0x3F9C];
	s0 =	simm.s32 @p0 $0x1  }
0x13: {  	[smem:$0x3FB7] =	sst s0;
	s0 =	simm.s32 @!p1 $0x0  }
0x14: {  	s2 =	sld [smem:$0x3F9B];
	s0 =	simm.s32 @p1 $0x1  }
0x15: {  	[smem:$0x3FB8] =	sst s0;
	s0 =	simm.s32 @!p2 $0x0  }
0x16: {  	s3 =	sld [smem:$0x3FDB];
	s0 =	simm.s32 @p2 $0x1  }
0x17: {  	s4 =	simm.s32 $0x1BF5;
	[smem:$0x3FBA] =	sst s0  }
0x18: {  	s0 =	sld [smem:$0x3F9D];
	_ =	swait.ge [sflag:s4], $0x0  }
0x19: {  	s7 =	sld [smem:$0x3F9E]  }
0x1a: {  	s8 =	sadd.s32 $0xFFFFE003, lr  }
0x1b: {  	s9 =	sadd.s32 $0xFFFFFEF7, lr;
	s5 =	simm.s32 $0xFFFFFFFF;
	p2 =	slt.u32 s8, $0xFFFFF086  }
0x1c: {  	p1 =	slt.u32 s9, $0xF7A;
	s5 =	simm.s32 @!p2 $0x0  }
0x1d: {  	s5 =	simm.s32 @p1 $0x1;
	p0 =	seq.s32 s7, s2  }
0x1e: {  	s7 =	smul.u32 @!p0 $0xF7A, s2;
	p2 =	seq.s32 @!p0 s5, $0x0  }
0x1f: {  	s9 =	smul.u32 $0xF7A, s1;
	s8 =	simm.s32 @!p0 $0x1BF5;
	p2 =	por !p2, p0  }
0x20: {  	[sflag:s8] =	ssyncset.s32 @!p0 $0xFFFFF086;
	s6 =	sadd.s32 @!p0 s3, s7;
	s7 =	simm.s32 @!p0 $0x108  }
0x21: {  	s3 =	sadd.s32 s3, s9;
	s6 =	sadd.s32 @!p0 $0x88, s6;
	s7 =	simm.s32 @p2 $0x1082  }
0x22: {  	[simem:s7], [sflag:s8] =	dma.local @!p0 [hbm:s6], $0xF7A  }
0x23: {  	s9 =	sor.u32 $0xD0000000, s2;
	s6 =	simm.s32 $0x108;
	_ =	swait.ge @!p0 [sflag:s8], $0x0  }
0x24: {  	s3 =	sadd.s32 $0x88, s3;
	s6 =	simm.s32 @!p1 $0x1082;
	[sflag:s4] =	ssyncset.s32 $0xFFFFF086  }
0x25: {  	[simem:s6], [sflag:s4] =	dma.local [hbm:s3], $0xF7A  }
0x26: {  	[smem:$0x3F9E] =	sst s1;
	(tag) =	ssettag s2;
	_ =	strace s9  }
0x27: {  	s1 =	sld [smem:$0x3FAE]  }
0x28: {  	s2 =	sld [smem:$0x3FAF]  }
0x29: {  	s4 =	sld [smem:$0x3FB1]  }
0x2a: {  	p0 =	seq.s32 s5, $0x0;
	s5 =	sld [smem:$0x3FB2]  }
0x2b: {  	s6 =	sld [smem:$0x3FB3]  }
0x2c: {  	s7 =	sld [smem:$0x3FB4]  }
0x2d: {  	s3 =	simm.s32 $0x108;
	s8 =	sld [smem:$0x3FB5]  }
0x2e: {  	s3 =	simm.s32 @!p0 $0x1082;
	s9 =	sld [smem:$0x3FB6]  }
0x2f: {  	lr =	sadd.s32 s0, s3;
	s0 =	sld [smem:$0x3FAD]  }
0x30: {  	s3 =	sld [smem:$0x3FB0]  }
0x31: {  	[smem:$0x3FB9] =	sst s10  }
0x32: {  	s10 =	sld [smem:$0x3FB7];
	_ =	sdelay $0x3  }
0x33: {  	p0 =	seq.s32 s10, $0x1;
	s10 =	sld [smem:$0x3FB9];
	_ =	sdelay $0x3  }
0x34: {  	[smem:$0x3FB9] =	sst s10  }
0x35: {  	s10 =	sld [smem:$0x3FB8];
	_ =	sdelay $0x3  }
0x36: {  	p1 =	seq.s32 s10, $0x1;
	s10 =	sld [smem:$0x3FB9];
	_ =	sdelay $0x3  }
0x37: {  	[smem:$0x3FB9] =	sst s10  }
0x38: {  	s10 =	sld [smem:$0x3FBA]  }
0x39: {  	_ = 	snop;
	(pc) =	sbr.ind lr, $3  }
0x3a: {  	_ = 	snop  }
0x3b: {  	_ = 	snop  }
0x3c: {  	p2 =	seq.s32 s10, $0x1;
	s10 =	sld [smem:$0x3FB9]  }
0x3d: {  	_ =	shalt  }
0x3e: {  	_ =	shalt  }
0x3f: {  	_ =	shalt  }
0x40: {  	_ =	shalt  }
0x41: {  	_ =	shalt  }
0x42: {  	_ =	shalt  }
0x43: {  	_ =	shalt  }
0x44: {  	_ =	shalt  }
0x45: {  	_ =	shalt  }
0x46: {  	_ =	shalt  }
0x47: {  	_ =	shalt  }
0x48: {  	_ =	shalt  }
0x49: {  	_ =	shalt  }
0x4a: {  	_ =	shalt  }
0x4b: {  	_ =	shalt  }
0x4c: {  	_ =	shalt  }
0x4d: {  	_ =	shalt  }
0x4e: {  	_ =	shalt  }
0x4f: {  	_ =	shalt  }
0x50: {  	_ =	shalt  }
0x51: {  	_ =	shalt  }
0x52: {  	_ =	shalt  }
0x53: {  	_ =	shalt  }
0x54: {  	_ =	shalt  }
0x55: {  	_ =	shalt  }
0x56: {  	_ =	shalt  }
0x57: {  	_ =	shalt  }
0x58: {  	_ =	shalt  }
0x59: {  	_ =	shalt  }
0x5a: {  	_ =	shalt  }
0x5b: {  	_ =	shalt  }
0x5c: {  	_ =	shalt  }
0x5d: {  	_ =	shalt  }
0x5e: {  	_ =	shalt  }
0x5f: {  	_ =	shalt  }
0x60: {  	_ =	shalt  }
0x61: {  	_ =	shalt  }
0x62: {  	_ =	shalt  }
0x63: {  	_ =	shalt  }
0x64: {  	_ =	shalt  }
0x65: {  	_ =	shalt  }
0x66: {  	_ =	shalt  }
0x67: {  	_ =	shalt  }
0x68: {  	_ =	shalt  }
0x69: {  	_ =	shalt  }
0x6a: {  	_ =	shalt  }
0x6b: {  	_ =	shalt  }
0x6c: {  	_ =	shalt  }
0x6d: {  	_ =	shalt  }
0x6e: {  	_ =	shalt  }
0x6f: {  	_ =	shalt  }
0x70: {  	_ =	shalt  }
0x71: {  	_ =	shalt  }
0x72: {  	_ =	shalt  }
0x73: {  	_ =	shalt  }
0x74: {  	_ =	shalt  }
0x75: {  	_ =	shalt  }
0x76: {  	_ =	shalt  }
0x77: {  	_ =	shalt  }
0x78: {  	_ =	shalt  }
0x79: {  	_ =	shalt  }
0x7a: {  	_ =	shalt  }
0x7b: {  	_ =	shalt  }
0x7c: {  	_ =	shalt  }
0x7d: {  	_ =	shalt  }
0x7e: {  	_ =	shalt  }
0x7f: {  	_ =	shalt  }
0x80: {  	_ =	shalt  }
0x81: {  	_ =	shalt  }
0x82: {  	_ =	shalt  }
0x83: {  	_ =	shalt  }
0x84: {  	_ =	shalt  }
0x85: {  	_ =	shalt  }
0x86: {  	_ =	shalt  }
0x87: {  	_ =	shalt  }
.Lfunc_end0:
.L_simem_size_0:
called_computation_lowered:
.L_overlay_start_0:
0x88: {  	s2 =	sld [smem:$0x3FD9]  }
0x89: {  	s3 =	sld [smem:$0x3FFE];
	_ =	sdelay $0x1  }
0x8a: {  	s1 =	srdreg.scid  }
0x8b: {  	s0 =	sand.u32 $0x1, s1  }
0x8c: {  	s17 =	sshll.u32 s0, $0xA;
	s2 =	sadd.s32 s3, s2  }
0x8d: {  	s2 =	sadd.s32 s2, s17  }
0x8e: {  	[smem:$0x3FC5] =	sst s2  }
0x8f: {  	_ = 	snop  }
0x90: {  	s2 =	sld [smem:$0x3FC9]  }
0x91: {  	s18 =	sld [smem:$0x3FC8]  }
0x92: {  	s4 =	sld [smem:$0x3FD0];
	(tm) =	ssettm $0x1  }
0x93: {  	s5 =	sld [smem:$0x3FFB];
	_ =	sdelay $0x3  }
0x94: {  	_ =	strace s5  }
0x95: {  	s5 =	sld [smem:$0x3FFC];
	_ =	sdelay $0x3  }
0x96: {  	_ =	strace s5  }
0x97: {  	s5 =	sld [smem:$0x3FFD];
	_ =	sdelay $0x3  }
0x98: {  	_ =	strace s5  }
0x99: {  	_ =	strace $0x8FFFFFFF  }
0x9a: {  	s19 =	sld [smem:$0x3FDB];
	_ =	sdelay $0x1  }
0x9b: {  	s6 =	simm.s32 $_scs_section_size  }
0x9c: {  	s7 =	simm.s32 $_size__tile_overlayer_lowered;
	s8 =	simm.s32 $_tile_overlayer_lowered  }
0x9d: {  	s22 =	simm.s32 $0x1BFF;
	s21 =	sshll.u32 s8, $0x1;
	s5 =	sadd.s32 s6, s19  }
0x9e: {  	s9 =	simm.s32 $0x0;
	s20 =	sshll.u32 s7, $0x1;
	s7 =	sadd.s32 s21, s5  }
0x9f: {  	[timem:s9], [sflag:s22] =	dma.local [hbm:s7], s20  }
0xa0: {  	_ =	swait.ge [sflag:s22], s20  }
0xa1: {  	s6 =	ssub.s32 $0x0, s20;
	[sflag:s22] =	ssyncset.done $0x0  }
0xa2: {  	[sflag:s22] =	ssyncadd.s32 s6;
	_ =	sdelay $0x1  }
0xa3: {  	s23 =	simm.s32 $0x1B8B  }
0xa4: {  	_ =	swait.ge [sflag:s23], $0x1  }
0xa5: {  	[sflag:s23] =	ssyncset.done $0x0  }
0xa6: {  	s25 =	simm.s32 $0x1B8E;
	s24 =	sld [smem:$0x3FFE];
	[sflag:s23] =	ssyncadd.s32 $0xFFFFFFFF  }
0xa7: {  	s26 =	simm.s32 $execute0_lowered;
	[smem:$0x3FD2] =	sst s25  }
0xa8: {  	s7 =	sshll.u32 s26, $0x1;
	_ =	strace $0x80000046;
	[dreg:$0x1] =	wrdreg $0xFFFFFFFF  }
0xa9: {  	s28 =	simm.s32 $_size_execute0_lowered;
	s5 =	sadd.s32 s5, s7;
	[dreg:$0x0] =	wrdreg $0x0  }
0xaa: {  	s7 =	sshll.u32 s28, $0x1;
	[dreg:$0x2] =	wrdreg s5  }
0xab: {  	[dreg:$0x3] =	wrdreg s7  }
0xac: {  	[dreg:$0x4] =	wrdreg $0xC0  }
0xad: {  	_ =	task [dreg:s9], $0x5FFFF  }
0xae: {  	[dreg:$0x1] =	wrdreg $0xFFFFFFFF  }
0xaf: {  	[dreg:$0x0] =	wrdreg $0x60  }
0xb0: {  	[dreg:$0x2] =	wrdreg s18  }
0xb1: {  	[dreg:$0x3] =	wrdreg s24  }
0xb2: {  	[dreg:$0x4] =	wrdreg s2  }
0xb3: {  	[dreg:$0x5] =	wrdreg s4  }
0xb4: {  	[dreg:$0x6] =	wrdreg $0x9  }
0xb5: {  	_ =	task.clear_ibuf [dreg:s9], $0x7FFFF;
	_ =	strace $0x90000046  }
0xb6: {  	s29 =	simm.s32 $0x9;
	_ =	strace $0x80000048  }
0xb7: {  	_ =	swait.ge [sflag:s29], $0x1  }
0xb8: {  	[sflag:s29] =	ssyncadd.s32 $0xFFFFFFFF  }
0xb9: {  	_ =	strace $0x90000048  }
0xba: {  	_ =	sfence  }
0xbb: {  	s30 =	sld [smem:$0x0];
	_ =	sdelay $0x2  }
0xbc: {  	s31 =	sshll.u32 s1, $0xD;
	s1 =	sshrl.u32 s1, $0x2  }
0xbd: {  	s3 =	sand.u32 $0x4000, s31;
	s1 =	sadd.s32 s1, s30  }
0xbe: {  	s0 =	sor.u32 s3, s0;
	s1 =	sshll.u32 s1, $0x11  }
0xbf: {  	s0 =	sor.u32 s1, s0  }
0xc0: {  	s0 =	sadd.s32 $0x8F2B, s0  }
0xc1: {  	[sflag:s0] =	ssyncadd.remote.s32 $0x1  }
0xc2: {  	_ =	sfence.sel $0xFFFF  }
0xc3: {  	[dreg:$0x0] =	wrdreg $0xFFFFFFFF;
	(pc) =	sbr.abs _section_cstart, $3  }
0xc4: {  	[dreg:$0x1] =	wrdreg $0xFFFFFFFF  }
0xc5: {  	_ =	task.clear_ibuf [dreg:s9], $0x2FFFF;
	_ =	strace $0x9FFFFFFF  }
0xc6: {  	(tm) =	ssettm $0x7FFFFFFF  }
0xc7: {  	_ =	shalt  }
tec
execute0_lowered:
.L_overlay_start_1:
0x0: {  	(tag) =	ssettag $0x1  }
0x1: {  	s1 =	rddreg [dreg:$0x0]  }
0x2: {  	s0 =	rddreg [dreg:$0x1]  }
0x3: {  	s3 =	rddreg [dreg:$0x2];
	s2 =	srdreg.scid  }
0x4: {  	s5 =	stileid.u32;
	s4 =	rddreg [dreg:$0x3];
	s16 =	simm.s32 $0x3  }
0x5: {  	s17 =	simm.s32 $0x80;
	s18 =	simm.s32 $0x400;
	s19 =	simm.s32 $0x6200  }
0x6: {  	s20 =	simm.s32 $0xC400;
	s21 =	simm.s32 $0x12600;
	s22 =	simm.s32 $0x18680  }
0x7: {  	s23 =	simm.s32 $0x18700;
	s24 =	simm.s32 $0x1;
	s25 =	simm.s32 $0x2  }
0x8: {  	s26 =	simm.s32 $0x0;
	s2 =	sand.u32 $0x1, s2;
	s6 =	sshll.u32 s5, $0x1  }
0x9: {  	s5 =	simm.s32 $0x0;
	s12 =	sadd.s32 $0x2000, s4;
	s9 =	sor.u32 s2, s6  }
0xa: {  	s13 =	sadd.s32 $0x3000, s4;
	[smem:$0x7FF] =	sst s5;
	s7 =	smul.u32 $0x68000, s9  }
0xb: {  	s6 =	sadd.s32 $0x400, s0;
	s2 =	ssub.s32 $0x2, s2;
	s8 =	sshll.u32 s9, $0x8  }
0xc: {  	_ =	strace $0x80000047;
	s30 =	sshrl.u32 s2, $0x1;
	s8 =	sor.u32 s8, s7  }
0xd: {  	s9 =	smul.u32 $0x1A, s9;
	s7 =	sadd.s32 $0x3800, s0;
	s8 =	sand.u32 $0xFE0300, s8  }
0xe: {  	s0 =	ssub.s32 s2, s30;
	s31 =	sshrl.u32 s8, $0x3;
	s8 =	sadd.s32 $0x1000, s4  }
0xf: {  	s14 =	smax.u32 s0, $0x1;
	s10 =	sadd.s32 s4, s31;
	s11 =	sadd.s32 s31, s8  }
.LBB2_1:
0x10: {  	s0 =	simm.s32 $0x1E700  }
0x11: {  	[tilespmem:s0], [sflag:$0x3] =	stream.linear.gather [hbm4b:s7+s5], $0xD00, $0x38;
	[tilespmem:$0x1F700] =	vst v63  }
0x12: {  	_ =	swait.ge [sflag:s16], $0xD00  }
0x13: {  	s2 =	simm.s32 $0x80;
	s29 =	sadd.s32 $0x0, s10;
	[sflag:s16] =	ssyncset.done $0x0  }
0x14: {  	s28 =	simm.s32 $0x1C800;
	s0 =	simm.s32 $0x1C700;
	[sflag:s16] =	ssyncadd.s32 $0xFFFFF300  }
.LBB2_2:
0x15: {  	[hbm4b:s29+s5] =	stream.linear.scatter [tilespmem:s0], [sflag:$0x2], $0x80, $0x38;
	[tilespmem:$0x1F700] =	vst v63  }
0x16: {  	s15 =	smov.u32 s2;
	s0 =	smov.u32 s28;
	p0 =	sne.s32 s2, $0xF80  }
.Ltmp0:
0x17: {  	s2 =	sadd.s32 $0x80, s2;
	(pc) =	sbr.rel @p0 .LBB2_2-.Ltmp0, $2  }
0x18: {  	_ =	sdelay $0x2  }
0x19: {  	s28 =	sadd.s32 $0x100, s28;
	s29 =	sadd.s32 s15, s10  }
0x1a: {  	[hbm4b:s29+s5] =	stream.linear.scatter [tilespmem:s0], [sflag:$0x2], $0x80, $0x38;
	[tilespmem:$0x1F700] =	vst v63  }
0x1b: {  	s28 =	simm.s32 $0x0;
	s0 =	simm.s32 $0x1C780  }
0x1c: {  	s2 =	simm.s32 $0x80;
	s30 =	sadd.s32 $0x0, s11;
	s29 =	simm.s32 $0x1C880  }
.LBB2_4:
0x1d: {  	[hbm4b:s30+s28] =	stream.linear.scatter [tilespmem:s0], [sflag:$0x2], $0x80, $0x38;
	[tilespmem:$0x1F700] =	vst v63  }
0x1e: {  	s15 =	smov.u32 s2;
	s0 =	smov.u32 s29;
	p0 =	sne.s32 s2, $0xF80  }
.Ltmp1:
0x1f: {  	s2 =	sadd.s32 $0x80, s2;
	(pc) =	sbr.rel @p0 .LBB2_4-.Ltmp1, $2  }
0x20: {  	_ =	sdelay $0x2  }
0x21: {  	s29 =	sadd.s32 $0x100, s29;
	s30 =	sadd.s32 s15, s11  }
0x22: {  	[hbm4b:s30+s28] =	stream.linear.scatter [tilespmem:s0], [sflag:$0x2], $0x80, $0x38;
	[tilespmem:$0x1F700] =	vst v63  }
.LBB2_6:
0x23: {  	s0 =	sadd.s32 s9, s28  }
0x24: {  	s2 =	sshrl.u32 s0, $0x5;
	s15 =	sshrl.u32 s0, $0x3  }
0x25: {  	s15 =	sand.u32 $0x3, s15;
	s29 =	smul.u32 $0x30E000, s2  }
0x26: {  	s30 =	smul.u32 $0xC3800, s15  }
0x27: {  	s31 =	sshll.u32 s0, $0x7  }
0x28: {  	s29 =	sadd.s32 s29, s30;
	s30 =	sand.u32 $0x380, s31  }
0x29: {  	s29 =	sor.u32 s30, s29  }
0x2a: {  	s31 =	sshrl.u32 s29, $0x3  }
0x2b: {  	s31 =	sadd.s32 s1, s31  }
0x2c: {  	[tilespmem:s5], [sflag:$0x1] =	stream.strided.gather [hbm4b:s31+s17], $0x6200, s18, s17, $0x38;
	[tilespmem:$0x1F700] =	vst v63  }
0x2d: {  	s31 =	sadd.s32 $0x31000, s29  }
0x2e: {  	s31 =	sshrl.u32 s31, $0x3  }
0x2f: {  	s31 =	sadd.s32 s1, s31  }
0x30: {  	[tilespmem:s19], [sflag:$0x1] =	stream.strided.gather [hbm4b:s31+s17], $0x6200, s18, s17, $0x38;
	[tilespmem:$0x1F700] =	vst v63  }
0x31: {  	s2 =	sshll.u32 s2, $0xC;
	s15 =	sshll.u32 s15, $0xA;
	s31 =	sadd.s32 $0x62000, s29  }
0x32: {  	s2 =	sor.u32 s2, s15;
	s29 =	sadd.s32 $0x93000, s29;
	s31 =	sshrl.u32 s31, $0x3  }
0x33: {  	s2 =	sor.u32 s30, s2;
	s29 =	sshrl.u32 s29, $0x3;
	s31 =	sadd.s32 s1, s31  }
0x34: {  	[tilespmem:s20], [sflag:$0x1] =	stream.strided.gather [hbm4b:s31+s17], $0x6200, s18, s17, $0x38;
	[tilespmem:$0x1F700] =	vst v63  }
0x35: {  	s2 =	sshrl.u32 s2, $0x3;
	s29 =	sadd.s32 s1, s29  }
0x36: {  	[tilespmem:s21], [sflag:$0x1] =	stream.strided.gather [hbm4b:s29+s17], $0x6080, s18, s17, $0x38;
	[tilespmem:$0x1F700] =	vst v63  }
0x37: {  	s2 =	sadd.s32 s6, s2  }
0x38: {  	[tilespmem:s22], [sflag:$0x1] =	stream.linear.gather [hbm4b:s2+s5], $0x80, $0x38;
	[tilespmem:$0x1F700] =	vst v63  }
0x39: {  	s2 =	sshrl.u32 s0, $0x1  }
0x3a: {  	s15 =	sshll.u32 s0, $0x6;
	s2 =	sand.u32 $0x70, s2  }
0x3b: {  	s15 =	sand.u32 $0xFFFC000, s15;
	s2 =	sadd.s32 s3, s2  }
0x3c: {  	s2 =	sadd.s32 s15, s2  }
0x3d: {  	[tilespmem:s23], [sflag:$0x1] =	stream.strided.gather [hbm4b:s2+s17], $0x4000, s18, s17, $0x38;
	[tilespmem:$0x1F700] =	vst v63  }
0x3e: {  	_ =	swait.ge [sflag:s24], $0x6200  }
0x3f: {  	[sflag:s24] =	ssyncset.done $0x0  }
0x40: {  	[sflag:s24] =	ssyncadd.s32 $0xFFFF9E00  }
0x41: {  	_ =	swait.ge [sflag:s24], $0x6200  }
0x42: {  	[sflag:s24] =	ssyncset.done $0x0  }
0x43: {  	[sflag:s24] =	ssyncadd.s32 $0xFFFF9E00  }
0x44: {  	_ =	swait.ge [sflag:s24], $0x6200  }
0x45: {  	[sflag:s24] =	ssyncset.done $0x0  }
0x46: {  	[sflag:s24] =	ssyncadd.s32 $0xFFFF9E00  }
0x47: {  	_ =	swait.ge [sflag:s24], $0x6080  }
0x48: {  	[sflag:s24] =	ssyncset.done $0x0  }
0x49: {  	[sflag:s24] =	ssyncadd.s32 $0xFFFF9F80  }
0x4a: {  	_ =	swait.ge [sflag:s24], $0x80  }
0x4b: {  	[sflag:s24] =	ssyncset.done $0x0  }
0x4c: {  	[sflag:s24] =	ssyncadd.s32 $0xFFFFFF80  }
0x4d: {  	_ =	swait.ge [sflag:s24], $0x4000  }
0x4e: {  	s15 =	sshll.u32 s0, $0x2;
	[sflag:s24] =	ssyncset.done $0x0  }
0x4f: {  	s2 =	sand.u32 $0x3FFFFF80, s15;
	[sflag:s24] =	ssyncadd.s32 $0xFFFFC000  }
0x50: {  	v0 =	vld [tilespmem:s2+$0x1E700];
	_ =	swait.ge [sflag:s25], $0x1000  }
0x51: {  	[sflag:s25] =	ssyncset.done $0x0  }
0x52: {  	s2 =	simm.s32 $0x18740;
	[sflag:s25] =	ssyncadd.s32 $0xFFFFF000  }
0x53: {  	v4 =	vld [tilespmem:s2+$0xFFFFFFF0]  }
0x54: {  	v5 =	vld [tilespmem:s2+$0x0]  }
0x55: {  	v1 =	vld [tilespmem:s2+$0x30]  }
0x56: {  	v2 =	vld [tilespmem:s2+$0xFFFFFFD0]  }
0x57: {  	v3 =	vld [tilespmem:s2+$0xFFFFFFE0]  }
0x58: {  	v6 =	vld [tilespmem:s2+$0x10];
	vm15 =	vlt.u32 v4, $0x186A0;
	v4 =	vadd.s32 $0x1, v4  }
0x59: {  	v7 =	vld [tilespmem:s2+$0x20];
	vm4 =	vlt.u32 v5, $0x186A0;
	v5 =	vadd.s32 $0x1, v5;
	v4 =	vnsel vm15, $0x0, v4  }
0x5a: {  	s15 =	simm.s32 $0x187C0;
	v8 =	vld [tilespmem:s2+$0xFFFFFFC0];
	v5 =	vnsel vm4, $0x0, v5  }
0x5b: {  	v11 =	vld [tilespmem:s15+$0xFFFFFFE0]  }
0x5c: {  	v12 =	vld [tilespmem:s15+$0xFFFFFFF0]  }
0x5d: {  	v13 =	vld [tilespmem:s15+$0x0]  }
0x5e: {  	vm0 =	vlt.u32 v1, $0x186A0;
	v1 =	vadd.s32 $0x1, v1;
	v9 =	vld.idx.msk [tilespmem:v4+s5+$0x0], $0xffff  }
0x5f: {  	vm1 =	vlt.u32 v2, $0x186A0;
	v2 =	vadd.s32 $0x1, v2;
	v1 =	vnsel vm0, $0x0, v1;
	v10 =	vld.idx.msk [tilespmem:v5+s5+$0x0], $0xffff  }
0x60: {  	vm14 =	vlt.u32 v3, $0x186A0;
	v3 =	vadd.s32 $0x1, v3;
	v2 =	vnsel vm1, $0x0, v2;
	v4 =	vld [tilespmem:s15+$0x30]  }
0x61: {  	v3 =	vnsel vm14, $0x0, v3;
	v5 =	vld [tilespmem:s15+$0xFFFFFFD0]  }
0x62: {  	v14 =	vld [tilespmem:s15+$0x10];
	vm5 =	vlt.u32 v6, $0x186A0;
	vm6 =	vlt.u32 v8, $0x186A0;
	v8 =	vadd.s32 $0x1, v8  }
0x63: {  	v15 =	vld [tilespmem:s15+$0x20];
	v6 =	vadd.s32 $0x1, v6;
	vm7 =	vlt.u32 v7, $0x186A0;
	v8 =	vnsel vm6, $0x0, v8  }
0x64: {  	v7 =	vadd.s32 $0x1, v7;
	vm10 =	vlt.u32 v11, $0x186A0;
	v6 =	vnsel vm5, $0x0, v6;
	v1 =	vld.idx.msk [tilespmem:v1+s5+$0x0], $0xffff  }
0x65: {  	v7 =	vnsel vm7, $0x0, v7;
	v2 =	vld.idx.msk [tilespmem:v2+s5+$0x0], $0xffff;
	vm8 =	vlt.u32 v4, $0x186A0;
	v4 =	vadd.s32 $0x1, v4  }
0x66: {  	v3 =	vld.idx.msk [tilespmem:v3+s5+$0x0], $0xffff;
	vm9 =	vlt.u32 v5, $0x186A0;
	v5 =	vadd.s32 $0x1, v5;
	v16 =	vnsel vm8, $0x0, v4  }
0x67: {  	v17 =	vld [tilespmem:s15+$0xFFFFFFC0];
	vm11 =	vlt.u32 v12, $0x186A0;
	v18 =	vnsel vm9, $0x0, v5;
	v4 =	vadd.s32 $0x1, v11  }
0x68: {  	vm12 =	vlt.u32 v13, $0x186A0;
	v62 =	vld.idx.msk [tilespmem:v8+s5+$0x0], $0xffff;
	v11 =	vnsel vm10, $0x0, v4;
	v4 =	vadd.s32 $0x1, v12  }
0x69: {  	v63 =	vld.idx.msk [tilespmem:v6+s5+$0x0], $0xffff;
	v1 =	vmul.f32 v1, v0;
	v19 =	vnsel vm11, $0x0, v4;
	v4 =	vadd.s32 $0x1, v13  }
0x6a: {  	s31 =	simm.s32 $0x1C740;
	v2 =	vmul.f32 v2, v0;
	v20 =	vnsel vm12, $0x0, v4;
	v4 =	vld.idx.msk [tilespmem:v7+s5+$0x0], $0xffff  }
0x6b: {  	s0 =	sshll.u32 s0, $0xE;
	vm13 =	vlt.u32 v14, $0x186A0;
	[tilespmem:s31+$0x30] =	vst v1;
	v1 =	vmul.f32 v3, v0;
	v5 =	vld.idx.msk [tilespmem:v16+s5+$0x0], $0xffff  }
0x6c: {  	s0 =	sand.u32 $0x7FFE0000, s0;
	vm14 =	vlt.u32 v15, $0x186A0;
	v3 =	vmul.f32 v9, v0;
	[tilespmem:s31+$0xFFFFFFD0] =	vst v2;
	v2 =	vadd.s32 $0x1, v14;
	v8 =	vld.idx.msk [tilespmem:v18+s5+$0x0], $0xffff  }
0x6d: {  	s0 =	sor.u32 s30, s0;
	vm15 =	vlt.u32 v17, $0x186A0;
	v7 =	vmul.f32 v10, v0;
	[tilespmem:s31+$0xFFFFFFE0] =	vst v1;
	v1 =	vnsel vm13, $0x0, v2;
	v9 =	vld.idx.msk [tilespmem:v11+s5+$0x0], $0xffff  }
0x6e: {  	s29 =	sshrl.u32 s0, $0x3;
	v2 =	vadd.s32 $0x1, v15;
	[tilespmem:s31+$0xFFFFFFF0] =	vst v3;
	v3 =	vadd.s32 $0x1, v17;
	v11 =	vmul.f32 v62, v0;
	v6 =	vld.idx.msk [tilespmem:v19+s5+$0x0], $0xffff  }
0x6f: {  	s0 =	simm.s32 $0x18840;
	s30 =	sadd.s32 s4, s29;
	s2 =	simm.s32 $0x8;
	v10 =	vmul.f32 v63, v0;
	v2 =	vnsel vm14, $0x0, v2;
	v3 =	vnsel vm15, $0x0, v3;
	[tilespmem:s31+$0x0] =	vst v7;
	v7 =	vld.idx.msk [tilespmem:v20+s5+$0x0], $0xffff  }
.LBB2_7:
0x70: {  	v12 =	vld [tilespmem:s0+$0x30];
	s2 =	sadd.s32 $0x8, s2;
	[tilespmem:s31+$0xFFFFFFC0] =	vst v11;
	v4 =	vmul.f32 v4, v0  }
0x71: {  	v5 =	vmul.f32 v5, v0;
	v11 =	vld [tilespmem:s0+$0xFFFFFFD0];
	p0 =	slt.u32 s2, $0xF8;
	[tilespmem:s31+$0x10] =	vst v10  }
0x72: {  	v8 =	vmul.f32 v8, v0;
	v10 =	vld [tilespmem:s0+$0xFFFFFFE0];
	[tilespmem:s31+$0x20] =	vst v4;
	s31 =	sadd.s32 $0x100, s31  }
0x73: {  	v9 =	vmul.f32 v9, v0;
	v4 =	vld [tilespmem:s0+$0xFFFFFFF0];
	[tilespmem:s31+$0x30] =	vst v5  }
0x74: {  	v6 =	vmul.f32 v6, v0;
	v5 =	vld [tilespmem:s0+$0x0];
	[tilespmem:s31+$0xFFFFFFD0] =	vst v8  }
0x75: {  	v7 =	vmul.f32 v7, v0;
	v8 =	vld [tilespmem:s0+$0x10];
	vm0 =	vlt.u32 v12, $0x186A0;
	v12 =	vadd.s32 $0x1, v12;
	[tilespmem:s31+$0xFFFFFFE0] =	vst v9  }
0x76: {  	vm1 =	vlt.u32 v11, $0x186A0;
	v9 =	vadd.s32 $0x1, v11;
	v11 =	vld [tilespmem:s0+$0x20];
	v12 =	vnsel vm0, $0x0, v12;
	[tilespmem:s31+$0xFFFFFFF0] =	vst v6  }
0x77: {  	v6 =	vld [tilespmem:s0+$0xFFFFFFC0];
	v9 =	vnsel vm1, $0x0, v9;
	vm0 =	vlt.u32 v10, $0x186A0;
	v10 =	vadd.s32 $0x1, v10;
	[tilespmem:s31+$0x0] =	vst v7  }
0x78: {  	v7 =	vnsel vm0, $0x0, v10;
	vm0 =	vlt.u32 v4, $0x186A0;
	v4 =	vadd.s32 $0x1, v4;
	v10 =	vld.idx.msk [tilespmem:v3+s5+$0x0], $0xffff  }
0x79: {  	v13 =	vnsel vm0, $0x0, v4;
	vm0 =	vlt.u32 v5, $0x186A0;
	v3 =	vadd.s32 $0x1, v5;
	v14 =	vld.idx.msk [tilespmem:v1+s5+$0x0], $0xffff  }
0x7a: {  	v15 =	vnsel vm0, $0x0, v3;
	vm0 =	vlt.u32 v8, $0x186A0;
	v1 =	vadd.s32 $0x1, v8;
	v4 =	vld.idx.msk [tilespmem:v2+s5+$0x0], $0xffff  }
.Ltmp2:
0x7b: {  	v1 =	vnsel vm0, $0x0, v1;
	vm0 =	vlt.u32 v11, $0x186A0;
	v2 =	vadd.s32 $0x1, v11;
	v5 =	vld.idx.msk [tilespmem:v12+s5+$0x0], $0xffff;
	(pc) =	sbr.rel @p0 .LBB2_7-.Ltmp2, $4  }
0x7c: {  	vm1 =	vlt.u32 v6, $0x186A0;
	v3 =	vadd.s32 $0x1, v6;
	v8 =	vld.idx.msk [tilespmem:v9+s5+$0x0], $0xffff;
	v2 =	vnsel vm0, $0x0, v2  }
0x7d: {  	v3 =	vnsel vm1, $0x0, v3;
	v9 =	vld.idx.msk [tilespmem:v7+s5+$0x0], $0xffff  }
0x7e: {  	v11 =	vmul.f32 v10, v0;
	v6 =	vld.idx.msk [tilespmem:v13+s5+$0x0], $0xffff  }
0x7f: {  	s0 =	sadd.s32 $0x80, s0;
	v10 =	vmul.f32 v14, v0;
	v7 =	vld.idx.msk [tilespmem:v15+s5+$0x0], $0xffff  }
0x80: {  	_ =	sdelay $0x2  }
0x81: {  	[tilespmem:s31+$0xFFFFFFC0] =	vst v11;
	v4 =	vmul.f32 v4, v0  }
0x82: {  	v5 =	vmul.f32 v5, v0;
	v3 =	vld.idx.msk [tilespmem:v3+s5+$0x0], $0xffff;
	[tilespmem:s31+$0x10] =	vst v10  }
0x83: {  	s0 =	sadd.s32 $0x100, s31;
	v1 =	vld.idx.msk [tilespmem:v1+s5+$0x0], $0xffff;
	v8 =	vmul.f32 v8, v0;
	[tilespmem:s31+$0x20] =	vst v4  }
0x84: {  	v2 =	vld.idx.msk [tilespmem:v2+s5+$0x0], $0xffff;
	v61 =	vmul.f32 v9, v0;
	[tilespmem:s0+$0x30] =	vst v5  }
0x85: {  	[tilespmem:s0+$0xFFFFFFD0] =	vst v8;
	v62 =	vmul.f32 v6, v0  }
0x86: {  	[tilespmem:s0+$0xFFFFFFE0] =	vst v61;
	v63 =	vmul.f32 v7, v0  }
0x87: {  	[tilespmem:s0+$0xFFFFFFF0] =	vst v62;
	v3 =	vmul.f32 v3, v0  }
0x88: {  	v1 =	vmul.f32 v1, v0;
	[tilespmem:s0+$0x0] =	vst v63  }
0x89: {  	v2 =	vmul.f32 v2, v0;
	[tilespmem:s0+$0xFFFFFFC0] =	vst v3  }
0x8a: {  	s2 =	simm.s32 $0x80;
	[tilespmem:s0+$0x10] =	vst v1  }
0x8b: {  	s15 =	sadd.s32 $0x0, s30;
	s31 =	simm.s32 $0x1C800;
	[tilespmem:s0+$0x20] =	vst v2;
	s0 =	simm.s32 $0x1C700  }
.LBB2_9:
0x8c: {  	[hbm4b:s15+s5] =	stream.linear.scatter [tilespmem:s0], [sflag:$0x2], $0x80, $0x38;
	[tilespmem:$0x1F700] =	vst v63  }
0x8d: {  	s15 =	smov.u32 s2;
	s0 =	smov.u32 s31;
	p0 =	sne.s32 s2, $0xF80  }
.Ltmp3:
0x8e: {  	s2 =	sadd.s32 $0x80, s2;
	(pc) =	sbr.rel @p0 .LBB2_9-.Ltmp3, $2  }
0x8f: {  	_ =	sdelay $0x2  }
0x90: {  	s31 =	sadd.s32 $0x100, s31;
	s15 =	sadd.s32 s15, s30  }
0x91: {  	[hbm4b:s15+s5] =	stream.linear.scatter [tilespmem:s0], [sflag:$0x2], $0x80, $0x38;
	[tilespmem:$0x1F700] =	vst v63  }
0x92: {  	_ =	swait.ge [sflag:s25], $0x1000  }
0x93: {  	[sflag:s25] =	ssyncset.done $0x0  }
0x94: {  	s2 =	simm.s32 $0x19770;
	[sflag:s25] =	ssyncadd.s32 $0xFFFFF000  }
0x95: {  	v4 =	vld [tilespmem:s2+$0xFFFFFFC0]  }
0x96: {  	v5 =	vld [tilespmem:s2+$0xFFFFFFD0]  }
0x97: {  	v1 =	vld [tilespmem:s2+$0x0]  }
0x98: {  	v2 =	vld [tilespmem:s2+$0xFFFFFFA0]  }
0x99: {  	v3 =	vld [tilespmem:s2+$0xFFFFFFB0]  }
0x9a: {  	v6 =	vld [tilespmem:s2+$0xFFFFFFE0];
	vm15 =	vlt.u32 v4, $0x186A0;
	v4 =	vadd.s32 $0x1, v4  }
0x9b: {  	v7 =	vld [tilespmem:s2+$0xFFFFFFF0];
	vm4 =	vlt.u32 v5, $0x186A0;
	v5 =	vadd.s32 $0x1, v5;
	v4 =	vnsel vm15, $0x0, v4  }
0x9c: {  	s15 =	simm.s32 $0x197F0;
	v8 =	vld [tilespmem:s2+$0xFFFFFF90];
	v5 =	vnsel vm4, $0x0, v5  }
0x9d: {  	v11 =	vld [tilespmem:s15+$0xFFFFFFB0]  }
0x9e: {  	v12 =	vld [tilespmem:s15+$0xFFFFFFC0]  }
0x9f: {  	v13 =	vld [tilespmem:s15+$0xFFFFFFD0]  }
0xa0: {  	vm0 =	vlt.u32 v1, $0x186A0;
	v1 =	vadd.s32 $0x1, v1;
	v9 =	vld.idx.msk [tilespmem:v4+s5+$0x0], $0xffff  }
0xa1: {  	vm1 =	vlt.u32 v2, $0x186A0;
	v2 =	vadd.s32 $0x1, v2;
	v1 =	vnsel vm0, $0x0, v1;
	v10 =	vld.idx.msk [tilespmem:v5+s5+$0x0], $0xffff  }
0xa2: {  	vm14 =	vlt.u32 v3, $0x186A0;
	v3 =	vadd.s32 $0x1, v3;
	v2 =	vnsel vm1, $0x0, v2;
	v4 =	vld [tilespmem:s15+$0x0]  }
0xa3: {  	v3 =	vnsel vm14, $0x0, v3;
	v5 =	vld [tilespmem:s15+$0xFFFFFFA0]  }
0xa4: {  	v14 =	vld [tilespmem:s15+$0xFFFFFFE0];
	vm5 =	vlt.u32 v6, $0x186A0;
	vm6 =	vlt.u32 v8, $0x186A0;
	v8 =	vadd.s32 $0x1, v8  }
0xa5: {  	v15 =	vld [tilespmem:s15+$0xFFFFFFF0];
	v6 =	vadd.s32 $0x1, v6;
	vm7 =	vlt.u32 v7, $0x186A0;
	v8 =	vnsel vm6, $0x0, v8  }
0xa6: {  	v7 =	vadd.s32 $0x1, v7;
	vm10 =	vlt.u32 v11, $0x186A0;
	v6 =	vnsel vm5, $0x0, v6;
	v1 =	vld.idx.msk [tilespmem:v1+s5+$0x0], $0xffff  }
0xa7: {  	v7 =	vnsel vm7, $0x0, v7;
	v2 =	vld.idx.msk [tilespmem:v2+s5+$0x0], $0xffff;
	vm8 =	vlt.u32 v4, $0x186A0;
	v4 =	vadd.s32 $0x1, v4  }
0xa8: {  	v3 =	vld.idx.msk [tilespmem:v3+s5+$0x0], $0xffff;
	vm9 =	vlt.u32 v5, $0x186A0;
	v5 =	vadd.s32 $0x1, v5;
	v16 =	vnsel vm8, $0x0, v4  }
0xa9: {  	v17 =	vld [tilespmem:s15+$0xFFFFFF90];
	vm11 =	vlt.u32 v12, $0x186A0;
	v18 =	vnsel vm9, $0x0, v5;
	v4 =	vadd.s32 $0x1, v11  }
0xaa: {  	vm12 =	vlt.u32 v13, $0x186A0;
	v62 =	vld.idx.msk [tilespmem:v8+s5+$0x0], $0xffff;
	v11 =	vnsel vm10, $0x0, v4;
	v4 =	vadd.s32 $0x1, v12  }
0xab: {  	v63 =	vld.idx.msk [tilespmem:v6+s5+$0x0], $0xffff;
	v1 =	vmul.f32 v1, v0;
	v19 =	vnsel vm11, $0x0, v4;
	v4 =	vadd.s32 $0x1, v13  }
0xac: {  	s31 =	simm.s32 $0x1C7F0;
	v2 =	vmul.f32 v2, v0;
	v20 =	vnsel vm12, $0x0, v4;
	v4 =	vld.idx.msk [tilespmem:v7+s5+$0x0], $0xffff  }
0xad: {  	vm13 =	vlt.u32 v14, $0x186A0;
	[tilespmem:s31+$0x0] =	vst v1;
	v1 =	vmul.f32 v3, v0;
	v5 =	vld.idx.msk [tilespmem:v16+s5+$0x0], $0xffff  }
0xae: {  	vm14 =	vlt.u32 v15, $0x186A0;
	v3 =	vmul.f32 v9, v0;
	[tilespmem:s31+$0xFFFFFFA0] =	vst v2;
	v2 =	vadd.s32 $0x1, v14;
	v8 =	vld.idx.msk [tilespmem:v18+s5+$0x0], $0xffff  }
0xaf: {  	vm15 =	vlt.u32 v17, $0x186A0;
	v7 =	vmul.f32 v10, v0;
	[tilespmem:s31+$0xFFFFFFB0] =	vst v1;
	v1 =	vnsel vm13, $0x0, v2;
	v9 =	vld.idx.msk [tilespmem:v11+s5+$0x0], $0xffff  }
0xb0: {  	v2 =	vadd.s32 $0x1, v15;
	[tilespmem:s31+$0xFFFFFFC0] =	vst v3;
	v3 =	vadd.s32 $0x1, v17;
	v11 =	vmul.f32 v62, v0;
	v6 =	vld.idx.msk [tilespmem:v19+s5+$0x0], $0xffff  }
0xb1: {  	s30 =	sadd.s32 s29, s8;
	s0 =	simm.s32 $0x19870;
	s2 =	simm.s32 $0x8;
	v10 =	vmul.f32 v63, v0;
	v2 =	vnsel vm14, $0x0, v2;
	v3 =	vnsel vm15, $0x0, v3;
	[tilespmem:s31+$0xFFFFFFD0] =	vst v7;
	v7 =	vld.idx.msk [tilespmem:v20+s5+$0x0], $0xffff  }
.LBB2_11:
0xb2: {  	v12 =	vld [tilespmem:s0+$0x0];
	s2 =	sadd.s32 $0x8, s2;
	[tilespmem:s31+$0xFFFFFF90] =	vst v11;
	v4 =	vmul.f32 v4, v0  }
0xb3: {  	v5 =	vmul.f32 v5, v0;
	v11 =	vld [tilespmem:s0+$0xFFFFFFA0];
	p0 =	slt.u32 s2, $0xF8;
	[tilespmem:s31+$0xFFFFFFE0] =	vst v10  }
0xb4: {  	v8 =	vmul.f32 v8, v0;
	v10 =	vld [tilespmem:s0+$0xFFFFFFB0];
	[tilespmem:s31+$0xFFFFFFF0] =	vst v4;
	s31 =	sadd.s32 $0x100, s31  }
0xb5: {  	v9 =	vmul.f32 v9, v0;
	v4 =	vld [tilespmem:s0+$0xFFFFFFC0];
	[tilespmem:s31+$0x0] =	vst v5  }
0xb6: {  	v6 =	vmul.f32 v6, v0;
	v5 =	vld [tilespmem:s0+$0xFFFFFFD0];
	[tilespmem:s31+$0xFFFFFFA0] =	vst v8  }
0xb7: {  	v7 =	vmul.f32 v7, v0;
	v8 =	vld [tilespmem:s0+$0xFFFFFFE0];
	vm0 =	vlt.u32 v12, $0x186A0;
	v12 =	vadd.s32 $0x1, v12;
	[tilespmem:s31+$0xFFFFFFB0] =	vst v9  }
0xb8: {  	vm1 =	vlt.u32 v11, $0x186A0;
	v9 =	vadd.s32 $0x1, v11;
	v11 =	vld [tilespmem:s0+$0xFFFFFFF0];
	v12 =	vnsel vm0, $0x0, v12;
	[tilespmem:s31+$0xFFFFFFC0] =	vst v6  }
0xb9: {  	v6 =	vld [tilespmem:s0+$0xFFFFFF90];
	v9 =	vnsel vm1, $0x0, v9;
	vm0 =	vlt.u32 v10, $0x186A0;
	v10 =	vadd.s32 $0x1, v10;
	[tilespmem:s31+$0xFFFFFFD0] =	vst v7  }
0xba: {  	v7 =	vnsel vm0, $0x0, v10;
	vm0 =	vlt.u32 v4, $0x186A0;
	v4 =	vadd.s32 $0x1, v4;
	v10 =	vld.idx.msk [tilespmem:v3+s5+$0x0], $0xffff  }
0xbb: {  	v13 =	vnsel vm0, $0x0, v4;
	vm0 =	vlt.u32 v5, $0x186A0;
	v3 =	vadd.s32 $0x1, v5;
	v14 =	vld.idx.msk [tilespmem:v1+s5+$0x0], $0xffff  }
0xbc: {  	v15 =	vnsel vm0, $0x0, v3;
	vm0 =	vlt.u32 v8, $0x186A0;
	v1 =	vadd.s32 $0x1, v8;
	v4 =	vld.idx.msk [tilespmem:v2+s5+$0x0], $0xffff  }
.Ltmp4:
0xbd: {  	v1 =	vnsel vm0, $0x0, v1;
	vm0 =	vlt.u32 v11, $0x186A0;
	v2 =	vadd.s32 $0x1, v11;
	v5 =	vld.idx.msk [tilespmem:v12+s5+$0x0], $0xffff;
	(pc) =	sbr.rel @p0 .LBB2_11-.Ltmp4, $4  }
0xbe: {  	vm1 =	vlt.u32 v6, $0x186A0;
	v3 =	vadd.s32 $0x1, v6;
	v8 =	vld.idx.msk [tilespmem:v9+s5+$0x0], $0xffff;
	v2 =	vnsel vm0, $0x0, v2  }
0xbf: {  	v3 =	vnsel vm1, $0x0, v3;
	v9 =	vld.idx.msk [tilespmem:v7+s5+$0x0], $0xffff  }
0xc0: {  	v11 =	vmul.f32 v10, v0;
	v6 =	vld.idx.msk [tilespmem:v13+s5+$0x0], $0xffff  }
0xc1: {  	s0 =	sadd.s32 $0x80, s0;
	v10 =	vmul.f32 v14, v0;
	v7 =	vld.idx.msk [tilespmem:v15+s5+$0x0], $0xffff  }
0xc2: {  	_ =	sdelay $0x2  }
0xc3: {  	[tilespmem:s31+$0xFFFFFF90] =	vst v11;
	v4 =	vmul.f32 v4, v0  }
0xc4: {  	v5 =	vmul.f32 v5, v0;
	v3 =	vld.idx.msk [tilespmem:v3+s5+$0x0], $0xffff;
	[tilespmem:s31+$0xFFFFFFE0] =	vst v10  }
0xc5: {  	s0 =	sadd.s32 $0x100, s31;
	v1 =	vld.idx.msk [tilespmem:v1+s5+$0x0], $0xffff;
	v8 =	vmul.f32 v8, v0;
	[tilespmem:s31+$0xFFFFFFF0] =	vst v4  }
0xc6: {  	v2 =	vld.idx.msk [tilespmem:v2+s5+$0x0], $0xffff;
	v61 =	vmul.f32 v9, v0;
	[tilespmem:s0+$0x0] =	vst v5  }
0xc7: {  	[tilespmem:s0+$0xFFFFFFA0] =	vst v8;
	v62 =	vmul.f32 v6, v0  }
0xc8: {  	[tilespmem:s0+$0xFFFFFFB0] =	vst v61;
	v63 =	vmul.f32 v7, v0  }
0xc9: {  	[tilespmem:s0+$0xFFFFFFC0] =	vst v62;
	v3 =	vmul.f32 v3, v0  }
0xca: {  	v1 =	vmul.f32 v1, v0;
	[tilespmem:s0+$0xFFFFFFD0] =	vst v63  }
0xcb: {  	v2 =	vmul.f32 v2, v0;
	[tilespmem:s0+$0xFFFFFF90] =	vst v3  }
0xcc: {  	s2 =	simm.s32 $0x80;
	[tilespmem:s0+$0xFFFFFFE0] =	vst v1  }
0xcd: {  	s15 =	sadd.s32 $0x0, s30;
	s31 =	simm.s32 $0x1C880;
	[tilespmem:s0+$0xFFFFFFF0] =	vst v2;
	s0 =	simm.s32 $0x1C780  }
.LBB2_13:
0xce: {  	[hbm4b:s15+s5] =	stream.linear.scatter [tilespmem:s0], [sflag:$0x2], $0x80, $0x38;
	[tilespmem:$0x1F700] =	vst v63  }
0xcf: {  	s15 =	smov.u32 s2;
	s0 =	smov.u32 s31;
	p0 =	sne.s32 s2, $0xF80  }
.Ltmp5:
0xd0: {  	s2 =	sadd.s32 $0x80, s2;
	(pc) =	sbr.rel @p0 .LBB2_13-.Ltmp5, $2  }
0xd1: {  	_ =	sdelay $0x2  }
0xd2: {  	s31 =	sadd.s32 $0x100, s31;
	s15 =	sadd.s32 s15, s30  }
0xd3: {  	[hbm4b:s15+s5] =	stream.linear.scatter [tilespmem:s0], [sflag:$0x2], $0x80, $0x38;
	[tilespmem:$0x1F700] =	vst v63  }
0xd4: {  	_ =	swait.ge [sflag:s25], $0x1000  }
0xd5: {  	[sflag:s25] =	ssyncset.done $0x0  }
0xd6: {  	s2 =	simm.s32 $0x1A770;
	[sflag:s25] =	ssyncadd.s32 $0xFFFFF000  }
0xd7: {  	v4 =	vld [tilespmem:s2+$0xFFFFFFC0]  }
0xd8: {  	v5 =	vld [tilespmem:s2+$0xFFFFFFD0]  }
0xd9: {  	v1 =	vld [tilespmem:s2+$0x0]  }
0xda: {  	v2 =	vld [tilespmem:s2+$0xFFFFFFA0]  }
0xdb: {  	v3 =	vld [tilespmem:s2+$0xFFFFFFB0]  }
0xdc: {  	v6 =	vld [tilespmem:s2+$0xFFFFFFE0];
	vm15 =	vlt.u32 v4, $0x186A0;
	v4 =	vadd.s32 $0x1, v4  }
0xdd: {  	v7 =	vld [tilespmem:s2+$0xFFFFFFF0];
	vm4 =	vlt.u32 v5, $0x186A0;
	v5 =	vadd.s32 $0x1, v5;
	v4 =	vnsel vm15, $0x0, v4  }
0xde: {  	s15 =	simm.s32 $0x1A7F0;
	v8 =	vld [tilespmem:s2+$0xFFFFFF90];
	v5 =	vnsel vm4, $0x0, v5  }
0xdf: {  	v11 =	vld [tilespmem:s15+$0xFFFFFFB0]  }
0xe0: {  	v12 =	vld [tilespmem:s15+$0xFFFFFFC0]  }
0xe1: {  	v13 =	vld [tilespmem:s15+$0xFFFFFFD0]  }
0xe2: {  	vm0 =	vlt.u32 v1, $0x186A0;
	v1 =	vadd.s32 $0x1, v1;
	v9 =	vld.idx.msk [tilespmem:v4+s5+$0x0], $0xffff  }
0xe3: {  	vm1 =	vlt.u32 v2, $0x186A0;
	v2 =	vadd.s32 $0x1, v2;
	v1 =	vnsel vm0, $0x0, v1;
	v10 =	vld.idx.msk [tilespmem:v5+s5+$0x0], $0xffff  }
0xe4: {  	vm14 =	vlt.u32 v3, $0x186A0;
	v3 =	vadd.s32 $0x1, v3;
	v2 =	vnsel vm1, $0x0, v2;
	v4 =	vld [tilespmem:s15+$0x0]  }
0xe5: {  	v3 =	vnsel vm14, $0x0, v3;
	v5 =	vld [tilespmem:s15+$0xFFFFFFA0]  }
0xe6: {  	v14 =	vld [tilespmem:s15+$0xFFFFFFE0];
	vm5 =	vlt.u32 v6, $0x186A0;
	vm6 =	vlt.u32 v8, $0x186A0;
	v8 =	vadd.s32 $0x1, v8  }
0xe7: {  	v15 =	vld [tilespmem:s15+$0xFFFFFFF0];
	v6 =	vadd.s32 $0x1, v6;
	vm7 =	vlt.u32 v7, $0x186A0;
	v8 =	vnsel vm6, $0x0, v8  }
0xe8: {  	v7 =	vadd.s32 $0x1, v7;
	vm10 =	vlt.u32 v11, $0x186A0;
	v6 =	vnsel vm5, $0x0, v6;
	v1 =	vld.idx.msk [tilespmem:v1+s5+$0x0], $0xffff  }
0xe9: {  	v7 =	vnsel vm7, $0x0, v7;
	v2 =	vld.idx.msk [tilespmem:v2+s5+$0x0], $0xffff;
	vm8 =	vlt.u32 v4, $0x186A0;
	v4 =	vadd.s32 $0x1, v4  }
0xea: {  	v3 =	vld.idx.msk [tilespmem:v3+s5+$0x0], $0xffff;
	vm9 =	vlt.u32 v5, $0x186A0;
	v5 =	vadd.s32 $0x1, v5;
	v16 =	vnsel vm8, $0x0, v4  }
0xeb: {  	v17 =	vld [tilespmem:s15+$0xFFFFFF90];
	vm11 =	vlt.u32 v12, $0x186A0;
	v18 =	vnsel vm9, $0x0, v5;
	v4 =	vadd.s32 $0x1, v11  }
0xec: {  	vm12 =	vlt.u32 v13, $0x186A0;
	v62 =	vld.idx.msk [tilespmem:v8+s5+$0x0], $0xffff;
	v11 =	vnsel vm10, $0x0, v4;
	v4 =	vadd.s32 $0x1, v12  }
0xed: {  	v63 =	vld.idx.msk [tilespmem:v6+s5+$0x0], $0xffff;
	v1 =	vmul.f32 v1, v0;
	v19 =	vnsel vm11, $0x0, v4;
	v4 =	vadd.s32 $0x1, v13  }
0xee: {  	s31 =	simm.s32 $0x1C740;
	v2 =	vmul.f32 v2, v0;
	v20 =	vnsel vm12, $0x0, v4;
	v4 =	vld.idx.msk [tilespmem:v7+s5+$0x0], $0xffff  }
0xef: {  	vm13 =	vlt.u32 v14, $0x186A0;
	[tilespmem:s31+$0x30] =	vst v1;
	v1 =	vmul.f32 v3, v0;
	v5 =	vld.idx.msk [tilespmem:v16+s5+$0x0], $0xffff  }
0xf0: {  	vm14 =	vlt.u32 v15, $0x186A0;
	v3 =	vmul.f32 v9, v0;
	[tilespmem:s31+$0xFFFFFFD0] =	vst v2;
	v2 =	vadd.s32 $0x1, v14;
	v8 =	vld.idx.msk [tilespmem:v18+s5+$0x0], $0xffff  }
0xf1: {  	vm15 =	vlt.u32 v17, $0x186A0;
	v7 =	vmul.f32 v10, v0;
	[tilespmem:s31+$0xFFFFFFE0] =	vst v1;
	v1 =	vnsel vm13, $0x0, v2;
	v9 =	vld.idx.msk [tilespmem:v11+s5+$0x0], $0xffff  }
0xf2: {  	v2 =	vadd.s32 $0x1, v15;
	[tilespmem:s31+$0xFFFFFFF0] =	vst v3;
	v3 =	vadd.s32 $0x1, v17;
	v11 =	vmul.f32 v62, v0;
	v6 =	vld.idx.msk [tilespmem:v19+s5+$0x0], $0xffff  }
0xf3: {  	s30 =	sadd.s32 s29, s12;
	s0 =	simm.s32 $0x1A870;
	s2 =	simm.s32 $0x8;
	v10 =	vmul.f32 v63, v0;
	v2 =	vnsel vm14, $0x0, v2;
	v3 =	vnsel vm15, $0x0, v3;
	[tilespmem:s31+$0x0] =	vst v7;
	v7 =	vld.idx.msk [tilespmem:v20+s5+$0x0], $0xffff  }
.LBB2_15:
0xf4: {  	v12 =	vld [tilespmem:s0+$0x0];
	s2 =	sadd.s32 $0x8, s2;
	[tilespmem:s31+$0xFFFFFFC0] =	vst v11;
	v4 =	vmul.f32 v4, v0  }
0xf5: {  	v5 =	vmul.f32 v5, v0;
	v11 =	vld [tilespmem:s0+$0xFFFFFFA0];
	p0 =	slt.u32 s2, $0xF8;
	[tilespmem:s31+$0x10] =	vst v10  }
0xf6: {  	v8 =	vmul.f32 v8, v0;
	v10 =	vld [tilespmem:s0+$0xFFFFFFB0];
	[tilespmem:s31+$0x20] =	vst v4;
	s31 =	sadd.s32 $0x100, s31  }
0xf7: {  	v9 =	vmul.f32 v9, v0;
	v4 =	vld [tilespmem:s0+$0xFFFFFFC0];
	[tilespmem:s31+$0x30] =	vst v5  }
0xf8: {  	v6 =	vmul.f32 v6, v0;
	v5 =	vld [tilespmem:s0+$0xFFFFFFD0];
	[tilespmem:s31+$0xFFFFFFD0] =	vst v8  }
0xf9: {  	v7 =	vmul.f32 v7, v0;
	v8 =	vld [tilespmem:s0+$0xFFFFFFE0];
	vm0 =	vlt.u32 v12, $0x186A0;
	v12 =	vadd.s32 $0x1, v12;
	[tilespmem:s31+$0xFFFFFFE0] =	vst v9  }
0xfa: {  	vm1 =	vlt.u32 v11, $0x186A0;
	v9 =	vadd.s32 $0x1, v11;
	v11 =	vld [tilespmem:s0+$0xFFFFFFF0];
	v12 =	vnsel vm0, $0x0, v12;
	[tilespmem:s31+$0xFFFFFFF0] =	vst v6  }
0xfb: {  	v6 =	vld [tilespmem:s0+$0xFFFFFF90];
	v9 =	vnsel vm1, $0x0, v9;
	vm0 =	vlt.u32 v10, $0x186A0;
	v10 =	vadd.s32 $0x1, v10;
	[tilespmem:s31+$0x0] =	vst v7  }
0xfc: {  	v7 =	vnsel vm0, $0x0, v10;
	vm0 =	vlt.u32 v4, $0x186A0;
	v4 =	vadd.s32 $0x1, v4;
	v10 =	vld.idx.msk [tilespmem:v3+s5+$0x0], $0xffff  }
0xfd: {  	v13 =	vnsel vm0, $0x0, v4;
	vm0 =	vlt.u32 v5, $0x186A0;
	v3 =	vadd.s32 $0x1, v5;
	v14 =	vld.idx.msk [tilespmem:v1+s5+$0x0], $0xffff  }
0xfe: {  	v15 =	vnsel vm0, $0x0, v3;
	vm0 =	vlt.u32 v8, $0x186A0;
	v1 =	vadd.s32 $0x1, v8;
	v4 =	vld.idx.msk [tilespmem:v2+s5+$0x0], $0xffff  }
.Ltmp6:
0xff: {  	v1 =	vnsel vm0, $0x0, v1;
	vm0 =	vlt.u32 v11, $0x186A0;
	v2 =	vadd.s32 $0x1, v11;
	v5 =	vld.idx.msk [tilespmem:v12+s5+$0x0], $0xffff;
	(pc) =	sbr.rel @p0 .LBB2_15-.Ltmp6, $4  }
0x100: {  	vm1 =	vlt.u32 v6, $0x186A0;
	v3 =	vadd.s32 $0x1, v6;
	v8 =	vld.idx.msk [tilespmem:v9+s5+$0x0], $0xffff;
	v2 =	vnsel vm0, $0x0, v2  }
0x101: {  	v3 =	vnsel vm1, $0x0, v3;
	v9 =	vld.idx.msk [tilespmem:v7+s5+$0x0], $0xffff  }
0x102: {  	v11 =	vmul.f32 v10, v0;
	v6 =	vld.idx.msk [tilespmem:v13+s5+$0x0], $0xffff  }
0x103: {  	s0 =	sadd.s32 $0x80, s0;
	v10 =	vmul.f32 v14, v0;
	v7 =	vld.idx.msk [tilespmem:v15+s5+$0x0], $0xffff  }
0x104: {  	_ =	sdelay $0x2  }
0x105: {  	[tilespmem:s31+$0xFFFFFFC0] =	vst v11;
	v4 =	vmul.f32 v4, v0  }
0x106: {  	v5 =	vmul.f32 v5, v0;
	v3 =	vld.idx.msk [tilespmem:v3+s5+$0x0], $0xffff;
	[tilespmem:s31+$0x10] =	vst v10  }
0x107: {  	s0 =	sadd.s32 $0x100, s31;
	v1 =	vld.idx.msk [tilespmem:v1+s5+$0x0], $0xffff;
	v8 =	vmul.f32 v8, v0;
	[tilespmem:s31+$0x20] =	vst v4  }
0x108: {  	v2 =	vld.idx.msk [tilespmem:v2+s5+$0x0], $0xffff;
	v61 =	vmul.f32 v9, v0;
	[tilespmem:s0+$0x30] =	vst v5  }
0x109: {  	[tilespmem:s0+$0xFFFFFFD0] =	vst v8;
	v62 =	vmul.f32 v6, v0  }
0x10a: {  	[tilespmem:s0+$0xFFFFFFE0] =	vst v61;
	v63 =	vmul.f32 v7, v0  }
0x10b: {  	[tilespmem:s0+$0xFFFFFFF0] =	vst v62;
	v3 =	vmul.f32 v3, v0  }
0x10c: {  	v1 =	vmul.f32 v1, v0;
	[tilespmem:s0+$0x0] =	vst v63  }
0x10d: {  	v2 =	vmul.f32 v2, v0;
	[tilespmem:s0+$0xFFFFFFC0] =	vst v3  }
0x10e: {  	s2 =	simm.s32 $0x80;
	[tilespmem:s0+$0x10] =	vst v1  }
0x10f: {  	s15 =	sadd.s32 $0x0, s30;
	s31 =	simm.s32 $0x1C800;
	[tilespmem:s0+$0x20] =	vst v2;
	s0 =	simm.s32 $0x1C700  }
.LBB2_17:
0x110: {  	[hbm4b:s15+s5] =	stream.linear.scatter [tilespmem:s0], [sflag:$0x2], $0x80, $0x38;
	[tilespmem:$0x1F700] =	vst v63  }
0x111: {  	s15 =	smov.u32 s2;
	s0 =	smov.u32 s31;
	p0 =	sne.s32 s2, $0xF80  }
.Ltmp7:
0x112: {  	s2 =	sadd.s32 $0x80, s2;
	(pc) =	sbr.rel @p0 .LBB2_17-.Ltmp7, $2  }
0x113: {  	_ =	sdelay $0x2  }
0x114: {  	s31 =	sadd.s32 $0x100, s31;
	s15 =	sadd.s32 s15, s30  }
0x115: {  	[hbm4b:s15+s5] =	stream.linear.scatter [tilespmem:s0], [sflag:$0x2], $0x80, $0x38;
	[tilespmem:$0x1F700] =	vst v63  }
0x116: {  	_ =	swait.ge [sflag:s25], $0x1000  }
0x117: {  	[sflag:s25] =	ssyncset.done $0x0  }
0x118: {  	s15 =	simm.s32 $0x1B770;
	[sflag:s25] =	ssyncadd.s32 $0xFFFFF000  }
0x119: {  	v4 =	vld [tilespmem:s15+$0xFFFFFFC0]  }
0x11a: {  	v5 =	vld [tilespmem:s15+$0xFFFFFFD0]  }
0x11b: {  	v1 =	vld [tilespmem:s15+$0x0]  }
0x11c: {  	v2 =	vld [tilespmem:s15+$0xFFFFFFA0]  }
0x11d: {  	v3 =	vld [tilespmem:s15+$0xFFFFFFB0]  }
0x11e: {  	v6 =	vld [tilespmem:s15+$0xFFFFFFE0];
	vm15 =	vlt.u32 v4, $0x186A0;
	v4 =	vadd.s32 $0x1, v4  }
0x11f: {  	v7 =	vld [tilespmem:s15+$0xFFFFFFF0];
	vm4 =	vlt.u32 v5, $0x186A0;
	v5 =	vadd.s32 $0x1, v5;
	v4 =	vnsel vm15, $0x0, v4  }
0x120: {  	s31 =	simm.s32 $0x1B7F0;
	v8 =	vld [tilespmem:s15+$0xFFFFFF90];
	v5 =	vnsel vm4, $0x0, v5  }
0x121: {  	v11 =	vld [tilespmem:s31+$0xFFFFFFB0]  }
0x122: {  	v12 =	vld [tilespmem:s31+$0xFFFFFFC0]  }
0x123: {  	v13 =	vld [tilespmem:s31+$0xFFFFFFD0]  }
0x124: {  	vm0 =	vlt.u32 v1, $0x186A0;
	v1 =	vadd.s32 $0x1, v1;
	v9 =	vld.idx.msk [tilespmem:v4+s5+$0x0], $0xffff  }
0x125: {  	vm1 =	vlt.u32 v2, $0x186A0;
	v2 =	vadd.s32 $0x1, v2;
	v1 =	vnsel vm0, $0x0, v1;
	v10 =	vld.idx.msk [tilespmem:v5+s5+$0x0], $0xffff  }
0x126: {  	vm14 =	vlt.u32 v3, $0x186A0;
	v3 =	vadd.s32 $0x1, v3;
	v2 =	vnsel vm1, $0x0, v2;
	v4 =	vld [tilespmem:s31+$0x0]  }
0x127: {  	v3 =	vnsel vm14, $0x0, v3;
	v5 =	vld [tilespmem:s31+$0xFFFFFFA0]  }
0x128: {  	v14 =	vld [tilespmem:s31+$0xFFFFFFE0];
	vm5 =	vlt.u32 v6, $0x186A0;
	vm6 =	vlt.u32 v8, $0x186A0;
	v8 =	vadd.s32 $0x1, v8  }
0x129: {  	v15 =	vld [tilespmem:s31+$0xFFFFFFF0];
	v6 =	vadd.s32 $0x1, v6;
	vm7 =	vlt.u32 v7, $0x186A0;
	v8 =	vnsel vm6, $0x0, v8  }
0x12a: {  	v7 =	vadd.s32 $0x1, v7;
	vm10 =	vlt.u32 v11, $0x186A0;
	v6 =	vnsel vm5, $0x0, v6;
	v1 =	vld.idx.msk [tilespmem:v1+s5+$0x0], $0xffff  }
0x12b: {  	v7 =	vnsel vm7, $0x0, v7;
	v2 =	vld.idx.msk [tilespmem:v2+s5+$0x0], $0xffff;
	vm8 =	vlt.u32 v4, $0x186A0;
	v4 =	vadd.s32 $0x1, v4  }
0x12c: {  	v3 =	vld.idx.msk [tilespmem:v3+s5+$0x0], $0xffff;
	vm9 =	vlt.u32 v5, $0x186A0;
	v5 =	vadd.s32 $0x1, v5;
	v16 =	vnsel vm8, $0x0, v4  }
0x12d: {  	v17 =	vld [tilespmem:s31+$0xFFFFFF90];
	vm11 =	vlt.u32 v12, $0x186A0;
	v18 =	vnsel vm9, $0x0, v5;
	v4 =	vadd.s32 $0x1, v11  }
0x12e: {  	vm12 =	vlt.u32 v13, $0x186A0;
	v62 =	vld.idx.msk [tilespmem:v8+s5+$0x0], $0xffff;
	v11 =	vnsel vm10, $0x0, v4;
	v4 =	vadd.s32 $0x1, v12  }
0x12f: {  	v63 =	vld.idx.msk [tilespmem:v6+s5+$0x0], $0xffff;
	v1 =	vmul.f32 v1, v0;
	v19 =	vnsel vm11, $0x0, v4;
	v4 =	vadd.s32 $0x1, v13  }
0x130: {  	s30 =	simm.s32 $0x1C7F0;
	v2 =	vmul.f32 v2, v0;
	v20 =	vnsel vm12, $0x0, v4;
	v4 =	vld.idx.msk [tilespmem:v7+s5+$0x0], $0xffff  }
0x131: {  	vm13 =	vlt.u32 v14, $0x186A0;
	[tilespmem:s30+$0x0] =	vst v1;
	v1 =	vmul.f32 v3, v0;
	v5 =	vld.idx.msk [tilespmem:v16+s5+$0x0], $0xffff  }
0x132: {  	vm14 =	vlt.u32 v15, $0x186A0;
	v3 =	vmul.f32 v9, v0;
	[tilespmem:s30+$0xFFFFFFA0] =	vst v2;
	v2 =	vadd.s32 $0x1, v14;
	v8 =	vld.idx.msk [tilespmem:v18+s5+$0x0], $0xffff  }
0x133: {  	vm15 =	vlt.u32 v17, $0x186A0;
	v7 =	vmul.f32 v10, v0;
	[tilespmem:s30+$0xFFFFFFB0] =	vst v1;
	v1 =	vnsel vm13, $0x0, v2;
	v9 =	vld.idx.msk [tilespmem:v11+s5+$0x0], $0xffff  }
0x134: {  	v2 =	vadd.s32 $0x1, v15;
	[tilespmem:s30+$0xFFFFFFC0] =	vst v3;
	v3 =	vadd.s32 $0x1, v17;
	v11 =	vmul.f32 v62, v0;
	v6 =	vld.idx.msk [tilespmem:v19+s5+$0x0], $0xffff  }
0x135: {  	s29 =	sadd.s32 s29, s13;
	s2 =	simm.s32 $0x8;
	s0 =	simm.s32 $0x1B870;
	v10 =	vmul.f32 v63, v0;
	v2 =	vnsel vm14, $0x0, v2;
	v3 =	vnsel vm15, $0x0, v3;
	[tilespmem:s30+$0xFFFFFFD0] =	vst v7;
	v7 =	vld.idx.msk [tilespmem:v20+s5+$0x0], $0xffff  }
.LBB2_19:
0x136: {  	v12 =	vld [tilespmem:s0+$0x0];
	s2 =	sadd.s32 $0x8, s2;
	[tilespmem:s30+$0xFFFFFF90] =	vst v11;
	v4 =	vmul.f32 v4, v0  }
0x137: {  	v5 =	vmul.f32 v5, v0;
	v11 =	vld [tilespmem:s0+$0xFFFFFFA0];
	p0 =	slt.u32 s2, $0xF8;
	[tilespmem:s30+$0xFFFFFFE0] =	vst v10  }
0x138: {  	v8 =	vmul.f32 v8, v0;
	v10 =	vld [tilespmem:s0+$0xFFFFFFB0];
	[tilespmem:s30+$0xFFFFFFF0] =	vst v4;
	s30 =	sadd.s32 $0x100, s30  }
0x139: {  	v9 =	vmul.f32 v9, v0;
	v4 =	vld [tilespmem:s0+$0xFFFFFFC0];
	[tilespmem:s30+$0x0] =	vst v5  }
0x13a: {  	v6 =	vmul.f32 v6, v0;
	v5 =	vld [tilespmem:s0+$0xFFFFFFD0];
	[tilespmem:s30+$0xFFFFFFA0] =	vst v8  }
0x13b: {  	v7 =	vmul.f32 v7, v0;
	v8 =	vld [tilespmem:s0+$0xFFFFFFE0];
	vm0 =	vlt.u32 v12, $0x186A0;
	v12 =	vadd.s32 $0x1, v12;
	[tilespmem:s30+$0xFFFFFFB0] =	vst v9  }
0x13c: {  	vm1 =	vlt.u32 v11, $0x186A0;
	v9 =	vadd.s32 $0x1, v11;
	v11 =	vld [tilespmem:s0+$0xFFFFFFF0];
	v12 =	vnsel vm0, $0x0, v12;
	[tilespmem:s30+$0xFFFFFFC0] =	vst v6  }
0x13d: {  	v6 =	vld [tilespmem:s0+$0xFFFFFF90];
	v9 =	vnsel vm1, $0x0, v9;
	vm0 =	vlt.u32 v10, $0x186A0;
	v10 =	vadd.s32 $0x1, v10;
	[tilespmem:s30+$0xFFFFFFD0] =	vst v7  }
0x13e: {  	v7 =	vnsel vm0, $0x0, v10;
	vm0 =	vlt.u32 v4, $0x186A0;
	v4 =	vadd.s32 $0x1, v4;
	v10 =	vld.idx.msk [tilespmem:v3+s5+$0x0], $0xffff  }
0x13f: {  	v13 =	vnsel vm0, $0x0, v4;
	vm0 =	vlt.u32 v5, $0x186A0;
	v3 =	vadd.s32 $0x1, v5;
	v14 =	vld.idx.msk [tilespmem:v1+s5+$0x0], $0xffff  }
0x140: {  	v15 =	vnsel vm0, $0x0, v3;
	vm0 =	vlt.u32 v8, $0x186A0;
	v1 =	vadd.s32 $0x1, v8;
	v4 =	vld.idx.msk [tilespmem:v2+s5+$0x0], $0xffff  }
.Ltmp8:
0x141: {  	v1 =	vnsel vm0, $0x0, v1;
	vm0 =	vlt.u32 v11, $0x186A0;
	v2 =	vadd.s32 $0x1, v11;
	v5 =	vld.idx.msk [tilespmem:v12+s5+$0x0], $0xffff;
	(pc) =	sbr.rel @p0 .LBB2_19-.Ltmp8, $4  }
0x142: {  	vm1 =	vlt.u32 v6, $0x186A0;
	v3 =	vadd.s32 $0x1, v6;
	v8 =	vld.idx.msk [tilespmem:v9+s5+$0x0], $0xffff;
	v2 =	vnsel vm0, $0x0, v2  }
0x143: {  	v3 =	vnsel vm1, $0x0, v3;
	v9 =	vld.idx.msk [tilespmem:v7+s5+$0x0], $0xffff  }
0x144: {  	v11 =	vmul.f32 v10, v0;
	v6 =	vld.idx.msk [tilespmem:v13+s5+$0x0], $0xffff  }
0x145: {  	s0 =	sadd.s32 $0x80, s0;
	v10 =	vmul.f32 v14, v0;
	v7 =	vld.idx.msk [tilespmem:v15+s5+$0x0], $0xffff  }
0x146: {  	_ =	sdelay $0x2  }
0x147: {  	[tilespmem:s30+$0xFFFFFF90] =	vst v11;
	v4 =	vmul.f32 v4, v0  }
0x148: {  	v5 =	vmul.f32 v5, v0;
	v3 =	vld.idx.msk [tilespmem:v3+s5+$0x0], $0xffff;
	[tilespmem:s30+$0xFFFFFFE0] =	vst v10  }
0x149: {  	s0 =	sadd.s32 $0x100, s30;
	v1 =	vld.idx.msk [tilespmem:v1+s5+$0x0], $0xffff;
	v8 =	vmul.f32 v8, v0;
	[tilespmem:s30+$0xFFFFFFF0] =	vst v4  }
0x14a: {  	v2 =	vld.idx.msk [tilespmem:v2+s5+$0x0], $0xffff;
	v60 =	vmul.f32 v9, v0;
	[tilespmem:s0+$0x0] =	vst v5  }
0x14b: {  	[tilespmem:s0+$0xFFFFFFA0] =	vst v8;
	v61 =	vmul.f32 v6, v0  }
0x14c: {  	[tilespmem:s0+$0xFFFFFFB0] =	vst v60;
	v62 =	vmul.f32 v7, v0  }
0x14d: {  	[tilespmem:s0+$0xFFFFFFC0] =	vst v61;
	v3 =	vmul.f32 v3, v0  }
0x14e: {  	v1 =	vmul.f32 v1, v0;
	[tilespmem:s0+$0xFFFFFFD0] =	vst v62  }
0x14f: {  	v63 =	vmul.f32 v2, v0;
	[tilespmem:s0+$0xFFFFFF90] =	vst v3  }
0x150: {  	s2 =	simm.s32 $0x80;
	[tilespmem:s0+$0xFFFFFFE0] =	vst v1  }
0x151: {  	s15 =	sadd.s32 $0x0, s29;
	s30 =	simm.s32 $0x1C880;
	[tilespmem:s0+$0xFFFFFFF0] =	vst v63;
	s0 =	simm.s32 $0x1C780  }
.LBB2_21:
0x152: {  	[hbm4b:s15+s5] =	stream.linear.scatter [tilespmem:s0], [sflag:$0x2], $0x80, $0x38;
	[tilespmem:$0x1F700] =	vst v63  }
0x153: {  	s15 =	smov.u32 s2;
	s0 =	smov.u32 s30;
	p0 =	sne.s32 s2, $0xF80  }
.Ltmp9:
0x154: {  	s2 =	sadd.s32 $0x80, s2;
	(pc) =	sbr.rel @p0 .LBB2_21-.Ltmp9, $2  }
0x155: {  	_ =	sdelay $0x2  }
0x156: {  	s30 =	sadd.s32 $0x100, s30;
	s15 =	sadd.s32 s15, s29  }
0x157: {  	s28 =	sadd.s32 $0x1, s28  }
0x158: {  	p0 =	sne.s32 s28, $0x1A  }
.Ltmp10:
0x159: {  	_ = 	snop;
	(pc) =	sbr.rel @p0 .LBB2_6-.Ltmp10, $2  }
0x15a: {  	_ =	sdelay $0x2  }
0x15b: {  	[hbm4b:s15+s5] =	stream.linear.scatter [tilespmem:s0], [sflag:$0x2], $0x80, $0x38;
	[tilespmem:$0x1F700] =	vst v63  }
0x15c: {  	s26 =	sadd.s32 $0x1, s26  }
0x15d: {  	_ =	swait.ge [sflag:s25], $0x1000;
	p0 =	sne.s32 s26, s14  }
.Ltmp11:
0x15e: {  	[sflag:s25] =	ssyncset.done $0x0;
	(pc) =	sbr.rel @p0 .LBB2_1-.Ltmp11, $4  }
0x15f: {  	[sflag:s25] =	ssyncadd.s32 $0xFFFFF000  }
0x160: {  	_ =	swait.ge [sflag:s25], $0x1000  }
0x161: {  	[sflag:s25] =	ssyncset.done $0x0  }
0x162: {  	[sflag:s25] =	ssyncadd.s32 $0xFFFFF000  }
0x163: {  	_ =	sfence.sel $0x180000  }
0x164: {  	[bflag:$0x0] =	sbarrier.arrive $0xFFFF  }
0x165: {  	_ =	strace $0x90000047  }
0x166: {  	s0 =	stileid.u32;
	[bflag:$0x2] =	sbarrier.arrive $0xFFFF  }
0x167: {  	p0 =	sne.s32 s0, $0x0;
	s0 =	rddreg [dreg:$0x4]  }
0x168: {  	s0 =	sadd.s32 @!p0 $0x100000, s0  }
0x169: {  	[sflag:s0] =	ssyncadd.tile.s32 @!p0 $0x1;
	_ =	shalt  }
.Lfunc_end2:
_tile_overlayer_lowered:
.L_overlay_start_2:
0x16a: {  	(tag) =	ssettag $0x2  }
0x16b: {  	s0 =	rddreg [dreg:$0x0];
	s2 =	stileid.u32  }
0x16c: {  	s1 =	rddreg [dreg:$0x1];
	p0 =	sne.s32 s2, $0x0  }
0x16d: {  	s3 =	rddreg [dreg:$0x2];
	[bflag:$0x3] =	sbarrier.arrive $0xFFFF;
	s2 =	simm.s32 @!p0 $0x1C03  }
0x16e: {  	[timem:s3], [sflag:s2] =	dma.local @!p0 [hbm:s0], s1  }
0x16f: {  	s0 =	simm.s32 @!p0 $0x3  }
0x170: {  	_ =	swait.ge @!p0 [sflag:s0], s1  }
0x171: {  	s1 =	ssub.s32 @!p0 $0x0, s1;
	[sflag:s0] =	ssyncset.done @!p0 $0x0  }
0x172: {  	[sflag:s0] =	ssyncadd.s32 @!p0 s1  }
0x173: {  	[bflag:$0x3] =	sbarrier.arrive $0xFFFF  }
0x174: {  	_ =	shalt  }

</sc_bundles>
